<compile_context>
chip_gen: v7x
topology: tpu7x:2x2x1
jax: 0.10.2.dev20260603
libtpu: 0.0.44.dev20260713+nightly
codegen_flags: <defaults>
</compile_context>

<pallas_src>
import jax
import jax.numpy as jnp
from jax import lax
from jax.experimental import pallas as pl
from jax.experimental.pallas import tpu as pltpu
from jax.experimental.pallas import tpu_sc as plsc

B = 4096
Q = 100
D = 64
DP = 128
L = 16
NC = 2
NS = 16
NW = NC * NS
BPW = B // NW
NBUF_G = 4
NBUF_O = 2
C = D // L


def kernel(answer, year, answer_table, yearly_table, question_table):
    answer = answer.astype(jnp.int32)
    year_flat = year.reshape(-1).astype(jnp.int32)
    atab_pad = jnp.pad(answer_table, ((0, 0), (0, DP - D)))
    ytab_pad = jnp.pad(yearly_table, ((0, 0), (0, DP - D)))

    def body(answer_hbm, year_hbm, atab_hbm, ytab_hbm, qtab_hbm, out_hbm,
             idx_v, yidx_v, yr_v, qt_v, rows_v, stage_v,
             gsem, osem, ysem):
        wid = lax.axis_index("s") * NC + lax.axis_index("c")
        base = wid * BPW

        pltpu.sync_copy(answer_hbm.at[pl.ds(base, BPW)], idx_v)
        pltpu.sync_copy(year_hbm.at[pl.ds(base, BPW)], yidx_v)
        pltpu.sync_copy(qtab_hbm, qt_v)
        pltpu.async_copy(ytab_hbm.at[yidx_v], yr_v, ysem).wait()

        for j in range(NBUF_G):
            pltpu.async_copy(atab_hbm.at[idx_v.at[j]], rows_v.at[j],
                             gsem.at[j])

        def outer(o, carry):
            for j in range(NBUF_G):
                g = o * NBUF_G + j
                oj = j % NBUF_O
                pltpu.make_async_copy(
                    atab_hbm.at[idx_v.at[g]], rows_v.at[j], gsem.at[j]).wait()

                def _wait_out():
                    pltpu.make_async_copy(
                        stage_v.at[oj], out_hbm.at[base], osem.at[oj]).wait()
                if j >= NBUF_O:
                    _wait_out()
                else:
                    pl.when(o > 0)(_wait_out)

                yrow = tuple(yr_v[g, pl.ds(c * L, L)] for c in range(C))

                def qbody(q, ycarry):
                    for c in range(C):
                        stage_v[oj, q, pl.ds(c * L, L)] = (
                            rows_v[j, q, pl.ds(c * L, L)]
                            + qt_v[q, pl.ds(c * L, L)]
                            + ycarry[c])
                    return ycarry

                lax.fori_loop(0, Q, qbody, yrow)

                pltpu.async_copy(stage_v.at[oj], out_hbm.at[base + g],
                                 osem.at[oj])

                def _next_gather():
                    pltpu.async_copy(
                        atab_hbm.at[idx_v.at[g + NBUF_G]], rows_v.at[j],
                        gsem.at[j])
                pl.when(o < BPW // NBUF_G - 1)(_next_gather)
            return carry

        lax.fori_loop(0, BPW // NBUF_G, outer, 0)

        for oj in range(NBUF_O):
            pltpu.make_async_copy(
                stage_v.at[oj], out_hbm.at[base], osem.at[oj]).wait()

    mesh = plsc.VectorSubcoreMesh(core_axis_name="c", subcore_axis_name="s",
                                  num_cores=NC, num_subcores=NS)
    run = pl.kernel(
        body,
        out_type=jax.ShapeDtypeStruct((B, Q, D), jnp.float32),
        mesh=mesh,
        scratch_types=[
            pltpu.VMEM((BPW, Q), jnp.int32),
            pltpu.VMEM((BPW,), jnp.int32),
            pltpu.VMEM((BPW, DP), jnp.float32),
            pltpu.VMEM((Q, D), jnp.float32),
            pltpu.VMEM((NBUF_G, Q, DP), jnp.float32),
            pltpu.VMEM((NBUF_O, Q, D), jnp.float32),
            pltpu.SemaphoreType.DMA((NBUF_G,)),
            pltpu.SemaphoreType.DMA((NBUF_O,)),
            pltpu.SemaphoreType.DMA,
        ],
    )
    return run(answer, year_flat, atab_pad, ytab_pad, question_table)

# --- scband reference (transcript-rebuilt; emitter-appended) ---
"""Pipeline reference for scband-survey-embeddings-901943132365 (READ-ONLY COPY).

The authoritative reference and input builder live on the scoring server;
editing this copy changes nothing except your own understanding.
"""

import jax, jax.numpy as jnp
import numpy as np

VOCAB = 100000
N_QUESTIONS = 100
N_YEARS = 14
EMBED_DIM = 64
BATCH = 4096


def setup_inputs(seed: int = 0) -> dict:
    key = jax.random.key(seed)
    k1, k2, k3, k4, k5 = jax.random.split(key, 5)
    answer = jax.random.randint(k1, (BATCH, N_QUESTIONS), 0, VOCAB, dtype=jnp.int64 if jax.config.jax_enable_x64 else jnp.int32)
    year = jax.random.randint(k2, (BATCH, 1), 0, N_YEARS, dtype=jnp.int64 if jax.config.jax_enable_x64 else jnp.int32)
    answer_table = jax.random.normal(k3, (VOCAB, EMBED_DIM), dtype=jnp.float32)
    yearly_table = jax.random.normal(k4, (N_YEARS, EMBED_DIM), dtype=jnp.float32)
    question_table = jax.random.normal(k5, (N_QUESTIONS, EMBED_DIM), dtype=jnp.float32)
    return {
        "answer": answer,
        "year": year,
        "answer_table": answer_table,
        "yearly_table": yearly_table,
        "question_table": question_table,
    }


def reference(answer, year, answer_table, yearly_table, question_table):
    # answer: [B, Q] int; year: [B, 1] int
    ans_emb = jnp.take(answer_table, answer, axis=0)          # [B, Q, D]
    yr_emb = jnp.take(yearly_table, year, axis=0)             # [B, 1, D]
    embeddings = ans_emb + yr_emb                              # broadcast over Q
    q_range = jnp.arange(N_QUESTIONS)
    q_emb = jnp.take(question_table, q_range, axis=0)          # [Q, D]
    embeddings = embeddings + q_emb[None, :, :]                # broadcast over B
    return embeddings

if __name__ == "__main__":
    import jax
    _d = setup_inputs()
    print(jax.jit(kernel)(*tuple(_d.values())))

</pallas_src>

<mosaic_0001>
#map = affine_map<(d0, d1) -> (0, 0)>
#map1 = affine_map<(d0, d1) -> (0)>
#map2 = affine_map<(d0, d1) -> (0, 0, 0)>
module attributes {stable_mosaic.version = 14 : i64} {
  func.func @body(%arg0: i32, %arg1: i32, %arg2: memref<4096x100xi32, #tpu.memory_space<hbm>>, %arg3: memref<4096xi32, #tpu.memory_space<hbm>>, %arg4: memref<100000x128xf32, #tpu.memory_space<hbm>>, %arg5: memref<14x128xf32, #tpu.memory_space<hbm>>, %arg6: memref<100x64xf32, #tpu.memory_space<hbm>>, %arg7: memref<4096x100x64xf32, #tpu.memory_space<hbm>>, %arg8: memref<128x100xi32, #tpu.memory_space<vmem>>, %arg9: memref<128xi32, #tpu.memory_space<vmem>>, %arg10: memref<128x128xf32, #tpu.memory_space<vmem>>, %arg11: memref<100x64xf32, #tpu.memory_space<vmem>>, %arg12: memref<4x100x128xf32, #tpu.memory_space<vmem>>, %arg13: memref<2x100x64xf32, #tpu.memory_space<vmem>>, %arg14: memref<4x!tpu.dma_semaphore, #tpu.memory_space<semaphore_mem>>, %arg15: memref<2x!tpu.dma_semaphore, #tpu.memory_space<semaphore_mem>>, %arg16: memref<!tpu.dma_semaphore, #tpu.memory_space<semaphore_mem>>) attributes {dimension_semantics = [#tpu.dimension_semantics<core_parallel>, #tpu.dimension_semantics<subcore_parallel>], iteration_bounds = array<i64: 2, 16>, scalar_prefetch = 0 : i64, scratch_operands = 9 : i64, tpu.core_type = #tpu.core_type<sc_vector_subcore>, window_params = [{transform_indices = #map}, {transform_indices = #map1}, {transform_indices = #map}, {transform_indices = #map}, {transform_indices = #map}, {transform_indices = #map2}]} {
    %mul3A = arith.constant 2 : i32
    %mul3A_0 = arith.muli %arg1, %mul3A : i32
    %add3A = arith.addi %mul3A_0, %arg0 : i32
    %mul3A_1 = arith.constant 128 : i32
    %mul3A_2 = arith.muli %add3A, %mul3A_1 : i32
    "tpu.region"() ({
      %run_scoped3A = tpu.sem_alloc : memref<!tpu.dma_semaphore, #tpu.memory_space<semaphore_mem>>
      %dma_start3A_112 = arith.constant 0 : i32
      %dma_start3A_113 = tpu.memref_slice %arg2[%mul3A_2, %dma_start3A_112] : memref<4096x100xi32, #tpu.memory_space<hbm>> -> memref<128x100xi32, #tpu.memory_space<hbm>>
      %dma_start3A_114 = arith.constant 0 : i32
      %dma_start3A_115 = tpu.memref_slice %arg2[%mul3A_2, %dma_start3A_114] : memref<4096x100xi32, #tpu.memory_space<hbm>> -> memref<128x100xi32, #tpu.memory_space<hbm>>
      tpu.enqueue_dma source(%dma_start3A_115 : memref<128x100xi32, #tpu.memory_space<hbm>>) target(%arg8 : memref<128x100xi32, #tpu.memory_space<vmem>>) target_semaphore(%run_scoped3A : memref<!tpu.dma_semaphore, #tpu.memory_space<semaphore_mem>>)
      %dma_wait3A_116 = arith.constant 0 : i32
      %dma_wait3A_117 = tpu.memref_slice %arg2[%mul3A_2, %dma_wait3A_116] : memref<4096x100xi32, #tpu.memory_space<hbm>> -> memref<128x100xi32, #tpu.memory_space<hbm>>
      %dma_wait3A_118 = arith.constant 0 : i32
      %dma_wait3A_119 = tpu.memref_slice %arg2[%mul3A_2, %dma_wait3A_118] : memref<4096x100xi32, #tpu.memory_space<hbm>> -> memref<128x100xi32, #tpu.memory_space<hbm>>
      tpu.wait_dma2 semaphore(%run_scoped3A : memref<!tpu.dma_semaphore, #tpu.memory_space<semaphore_mem>>) src(%dma_wait3A_119 : memref<128x100xi32, #tpu.memory_space<hbm>>) dst(%arg8 : memref<128x100xi32, #tpu.memory_space<vmem>>)
      tpu.yield
    }) : () -> ()
    "tpu.region"() ({
      %run_scoped3A = tpu.sem_alloc : memref<!tpu.dma_semaphore, #tpu.memory_space<semaphore_mem>>
      %dma_start3A_112 = tpu.memref_slice %arg3[%mul3A_2] : memref<4096xi32, #tpu.memory_space<hbm>> -> memref<128xi32, #tpu.memory_space<hbm>>
      %dma_start3A_113 = tpu.memref_slice %arg3[%mul3A_2] : memref<4096xi32, #tpu.memory_space<hbm>> -> memref<128xi32, #tpu.memory_space<hbm>>
      tpu.enqueue_dma source(%dma_start3A_113 : memref<128xi32, #tpu.memory_space<hbm>>) target(%arg9 : memref<128xi32, #tpu.memory_space<vmem>>) target_semaphore(%run_scoped3A : memref<!tpu.dma_semaphore, #tpu.memory_space<semaphore_mem>>)
      %dma_wait3A_114 = tpu.memref_slice %arg3[%mul3A_2] : memref<4096xi32, #tpu.memory_space<hbm>> -> memref<128xi32, #tpu.memory_space<hbm>>
      %dma_wait3A_115 = tpu.memref_slice %arg3[%mul3A_2] : memref<4096xi32, #tpu.memory_space<hbm>> -> memref<128xi32, #tpu.memory_space<hbm>>
      tpu.wait_dma2 semaphore(%run_scoped3A : memref<!tpu.dma_semaphore, #tpu.memory_space<semaphore_mem>>) src(%dma_wait3A_115 : memref<128xi32, #tpu.memory_space<hbm>>) dst(%arg9 : memref<128xi32, #tpu.memory_space<vmem>>)
      tpu.yield
    }) : () -> ()
    "tpu.region"() ({
      %run_scoped3A = tpu.sem_alloc : memref<!tpu.dma_semaphore, #tpu.memory_space<semaphore_mem>>
      tpu.enqueue_dma source(%arg6 : memref<100x64xf32, #tpu.memory_space<hbm>>) target(%arg11 : memref<100x64xf32, #tpu.memory_space<vmem>>) target_semaphore(%run_scoped3A : memref<!tpu.dma_semaphore, #tpu.memory_space<semaphore_mem>>)
      tpu.wait_dma2 semaphore(%run_scoped3A : memref<!tpu.dma_semaphore, #tpu.memory_space<semaphore_mem>>) src(%arg6 : memref<100x64xf32, #tpu.memory_space<hbm>>) dst(%arg11 : memref<100x64xf32, #tpu.memory_space<vmem>>)
      tpu.yield
    }) : () -> ()
    %dma_start3A = arith.constant 0 : i32
    %dma_start3A_3 = arith.constant 0 : i32
    %dma_start3A_4 = tpu.memref_slice %arg5[%dma_start3A, %dma_start3A_3] : memref<14x128xf32, #tpu.memory_space<hbm>> -> memref<14x128xf32, #tpu.memory_space<hbm>>
    tpu.enqueue_indirect_dma source(%dma_start3A_4 : memref<14x128xf32, #tpu.memory_space<hbm>>) target(%arg10 : memref<128x128xf32, #tpu.memory_space<vmem>>) offsets(%arg9 : memref<128xi32, #tpu.memory_space<vmem>>) semaphore(%arg16 : memref<!tpu.dma_semaphore, #tpu.memory_space<semaphore_mem>>)
    %dma_wait3A = arith.constant 0 : i32
    %dma_wait3A_5 = arith.constant 0 : i32
    %dma_wait3A_6 = tpu.memref_slice %arg5[%dma_wait3A, %dma_wait3A_5] : memref<14x128xf32, #tpu.memory_space<hbm>> -> memref<14x128xf32, #tpu.memory_space<hbm>>
    tpu.wait_indirect_dma semaphore(%arg16 : memref<!tpu.dma_semaphore, #tpu.memory_space<semaphore_mem>>) src(%dma_wait3A_6 : memref<14x128xf32, #tpu.memory_space<hbm>>) dst(%arg10 : memref<128x128xf32, #tpu.memory_space<vmem>>)
    %dma_start3A_7 = arith.constant 0 : i32
    %dma_start3A_8 = arith.constant 0 : i32
    %dma_start3A_9 = arith.constant 0 : i32
    %dma_start3A_10 = arith.constant 0 : i32
    %dma_start3A_11 = arith.constant 0 : i32
    %dma_start3A_12 = tpu.memref_slice %arg12[%dma_start3A_8, %dma_start3A_10, %dma_start3A_11] : memref<4x100x128xf32, #tpu.memory_space<vmem>> -> memref<1x100x128xf32, #tpu.memory_space<vmem>>
    %dma_start3A_13 = tpu.memref_squeeze %dma_start3A_12 : memref<1x100x128xf32, #tpu.memory_space<vmem>> -> memref<100x128xf32, #tpu.memory_space<vmem>>
    %dma_start3A_14 = arith.constant 0 : i32
    %dma_start3A_15 = tpu.memref_slice %arg8[%dma_start3A_7, %dma_start3A_14] : memref<128x100xi32, #tpu.memory_space<vmem>> -> memref<1x100xi32, #tpu.memory_space<vmem>>
    %dma_start3A_16 = tpu.memref_squeeze %dma_start3A_15 : memref<1x100xi32, #tpu.memory_space<vmem>> -> memref<100xi32, #tpu.memory_space<vmem>>
    %dma_start3A_17 = arith.constant 0 : i32
    %dma_start3A_18 = arith.constant 0 : i32
    %dma_start3A_19 = tpu.memref_slice %arg4[%dma_start3A_17, %dma_start3A_18] : memref<100000x128xf32, #tpu.memory_space<hbm>> -> memref<100000x128xf32, #tpu.memory_space<hbm>>
    %dma_start3A_20 = tpu.memref_slice %arg14[%dma_start3A_9] : memref<4x!tpu.dma_semaphore, #tpu.memory_space<semaphore_mem>> -> memref<1x!tpu.dma_semaphore, #tpu.memory_space<semaphore_mem>>
    %dma_start3A_21 = tpu.memref_squeeze %dma_start3A_20 : memref<1x!tpu.dma_semaphore, #tpu.memory_space<semaphore_mem>> -> memref<!tpu.dma_semaphore, #tpu.memory_space<semaphore_mem>>
    tpu.enqueue_indirect_dma source(%dma_start3A_19 : memref<100000x128xf32, #tpu.memory_space<hbm>>) target(%dma_start3A_13 : memref<100x128xf32, #tpu.memory_space<vmem>>) offsets(%dma_start3A_16 : memref<100xi32, #tpu.memory_space<vmem>>) semaphore(%dma_start3A_21 : memref<!tpu.dma_semaphore, #tpu.memory_space<semaphore_mem>>)
    %dma_start3A_22 = arith.constant 1 : i32
    %dma_start3A_23 = arith.constant 1 : i32
    %dma_start3A_24 = arith.constant 1 : i32
    %dma_start3A_25 = arith.constant 0 : i32
    %dma_start3A_26 = arith.constant 0 : i32
    %dma_start3A_27 = tpu.memref_slice %arg12[%dma_start3A_23, %dma_start3A_25, %dma_start3A_26] : memref<4x100x128xf32, #tpu.memory_space<vmem>> -> memref<1x100x128xf32, #tpu.memory_space<vmem>>
    %dma_start3A_28 = tpu.memref_squeeze %dma_start3A_27 : memref<1x100x128xf32, #tpu.memory_space<vmem>> -> memref<100x128xf32, #tpu.memory_space<vmem>>
    %dma_start3A_29 = arith.constant 0 : i32
    %dma_start3A_30 = tpu.memref_slice %arg8[%dma_start3A_22, %dma_start3A_29] : memref<128x100xi32, #tpu.memory_space<vmem>> -> memref<1x100xi32, #tpu.memory_space<vmem>>
    %dma_start3A_31 = tpu.memref_squeeze %dma_start3A_30 : memref<1x100xi32, #tpu.memory_space<vmem>> -> memref<100xi32, #tpu.memory_space<vmem>>
    %dma_start3A_32 = arith.constant 0 : i32
    %dma_start3A_33 = arith.constant 0 : i32
    %dma_start3A_34 = tpu.memref_slice %arg4[%dma_start3A_32, %dma_start3A_33] : memref<100000x128xf32, #tpu.memory_space<hbm>> -> memref<100000x128xf32, #tpu.memory_space<hbm>>
    %dma_start3A_35 = tpu.memref_slice %arg14[%dma_start3A_24] : memref<4x!tpu.dma_semaphore, #tpu.memory_space<semaphore_mem>> -> memref<1x!tpu.dma_semaphore, #tpu.memory_space<semaphore_mem>>
    %dma_start3A_36 = tpu.memref_squeeze %dma_start3A_35 : memref<1x!tpu.dma_semaphore, #tpu.memory_space<semaphore_mem>> -> memref<!tpu.dma_semaphore, #tpu.memory_space<semaphore_mem>>
    tpu.enqueue_indirect_dma source(%dma_start3A_34 : memref<100000x128xf32, #tpu.memory_space<hbm>>) target(%dma_start3A_28 : memref<100x128xf32, #tpu.memory_space<vmem>>) offsets(%dma_start3A_31 : memref<100xi32, #tpu.memory_space<vmem>>) semaphore(%dma_start3A_36 : memref<!tpu.dma_semaphore, #tpu.memory_space<semaphore_mem>>)
    %dma_start3A_37 = arith.constant 2 : i32
    %dma_start3A_38 = arith.constant 2 : i32
    %dma_start3A_39 = arith.constant 2 : i32
    %dma_start3A_40 = arith.constant 0 : i32
    %dma_start3A_41 = arith.constant 0 : i32
    %dma_start3A_42 = tpu.memref_slice %arg12[%dma_start3A_38, %dma_start3A_40, %dma_start3A_41] : memref<4x100x128xf32, #tpu.memory_space<vmem>> -> memref<1x100x128xf32, #tpu.memory_space<vmem>>
    %dma_start3A_43 = tpu.memref_squeeze %dma_start3A_42 : memref<1x100x128xf32, #tpu.memory_space<vmem>> -> memref<100x128xf32, #tpu.memory_space<vmem>>
    %dma_start3A_44 = arith.constant 0 : i32
    %dma_start3A_45 = tpu.memref_slice %arg8[%dma_start3A_37, %dma_start3A_44] : memref<128x100xi32, #tpu.memory_space<vmem>> -> memref<1x100xi32, #tpu.memory_space<vmem>>
    %dma_start3A_46 = tpu.memref_squeeze %dma_start3A_45 : memref<1x100xi32, #tpu.memory_space<vmem>> -> memref<100xi32, #tpu.memory_space<vmem>>
    %dma_start3A_47 = arith.constant 0 : i32
    %dma_start3A_48 = arith.constant 0 : i32
    %dma_start3A_49 = tpu.memref_slice %arg4[%dma_start3A_47, %dma_start3A_48] : memref<100000x128xf32, #tpu.memory_space<hbm>> -> memref<100000x128xf32, #tpu.memory_space<hbm>>
    %dma_start3A_50 = tpu.memref_slice %arg14[%dma_start3A_39] : memref<4x!tpu.dma_semaphore, #tpu.memory_space<semaphore_mem>> -> memref<1x!tpu.dma_semaphore, #tpu.memory_space<semaphore_mem>>
    %dma_start3A_51 = tpu.memref_squeeze %dma_start3A_50 : memref<1x!tpu.dma_semaphore, #tpu.memory_space<semaphore_mem>> -> memref<!tpu.dma_semaphore, #tpu.memory_space<semaphore_mem>>
    tpu.enqueue_indirect_dma source(%dma_start3A_49 : memref<100000x128xf32, #tpu.memory_space<hbm>>) target(%dma_start3A_43 : memref<100x128xf32, #tpu.memory_space<vmem>>) offsets(%dma_start3A_46 : memref<100xi32, #tpu.memory_space<vmem>>) semaphore(%dma_start3A_51 : memref<!tpu.dma_semaphore, #tpu.memory_space<semaphore_mem>>)
    %dma_start3A_52 = arith.constant 3 : i32
    %dma_start3A_53 = arith.constant 3 : i32
    %dma_start3A_54 = arith.constant 3 : i32
    %dma_start3A_55 = arith.constant 0 : i32
    %dma_start3A_56 = arith.constant 0 : i32
    %dma_start3A_57 = tpu.memref_slice %arg12[%dma_start3A_53, %dma_start3A_55, %dma_start3A_56] : memref<4x100x128xf32, #tpu.memory_space<vmem>> -> memref<1x100x128xf32, #tpu.memory_space<vmem>>
    %dma_start3A_58 = tpu.memref_squeeze %dma_start3A_57 : memref<1x100x128xf32, #tpu.memory_space<vmem>> -> memref<100x128xf32, #tpu.memory_space<vmem>>
    %dma_start3A_59 = arith.constant 0 : i32
    %dma_start3A_60 = tpu.memref_slice %arg8[%dma_start3A_52, %dma_start3A_59] : memref<128x100xi32, #tpu.memory_space<vmem>> -> memref<1x100xi32, #tpu.memory_space<vmem>>
    %dma_start3A_61 = tpu.memref_squeeze %dma_start3A_60 : memref<1x100xi32, #tpu.memory_space<vmem>> -> memref<100xi32, #tpu.memory_space<vmem>>
    %dma_start3A_62 = arith.constant 0 : i32
    %dma_start3A_63 = arith.constant 0 : i32
    %dma_start3A_64 = tpu.memref_slice %arg4[%dma_start3A_62, %dma_start3A_63] : memref<100000x128xf32, #tpu.memory_space<hbm>> -> memref<100000x128xf32, #tpu.memory_space<hbm>>
    %dma_start3A_65 = tpu.memref_slice %arg14[%dma_start3A_54] : memref<4x!tpu.dma_semaphore, #tpu.memory_space<semaphore_mem>> -> memref<1x!tpu.dma_semaphore, #tpu.memory_space<semaphore_mem>>
    %dma_start3A_66 = tpu.memref_squeeze %dma_start3A_65 : memref<1x!tpu.dma_semaphore, #tpu.memory_space<semaphore_mem>> -> memref<!tpu.dma_semaphore, #tpu.memory_space<semaphore_mem>>
    tpu.enqueue_indirect_dma source(%dma_start3A_64 : memref<100000x128xf32, #tpu.memory_space<hbm>>) target(%dma_start3A_58 : memref<100x128xf32, #tpu.memory_space<vmem>>) offsets(%dma_start3A_61 : memref<100xi32, #tpu.memory_space<vmem>>) semaphore(%dma_start3A_66 : memref<!tpu.dma_semaphore, #tpu.memory_space<semaphore_mem>>)
    %scan3A = arith.constant 0 : i32
    %scan3A_67 = arith.constant 0 : i32
    %scan3A_68 = arith.constant 32 : i32
    %scan3A_69 = arith.addi %scan3A_67, %scan3A_68 : i32
    %scan3A_70 = arith.constant 1 : i32
    scf.for %scan3A_112 = %scan3A_67 to %scan3A_69 step %scan3A_70  : i32 {
      %mul3A_113 = arith.constant 4 : i32
      %mul3A_114 = arith.muli %scan3A_112, %mul3A_113 : i32
      %add3A_115 = arith.constant 0 : i32
      %add3A_116 = arith.addi %mul3A_114, %add3A_115 : i32
      %dma_wait3A_117 = arith.constant 0 : i32
      %dma_wait3A_118 = arith.constant 0 : i32
      %dma_wait3A_119 = arith.constant 0 : i32
      %dma_wait3A_120 = arith.constant 0 : i32
      %dma_wait3A_121 = tpu.memref_slice %arg12[%dma_wait3A_117, %dma_wait3A_119, %dma_wait3A_120] : memref<4x100x128xf32, #tpu.memory_space<vmem>> -> memref<1x100x128xf32, #tpu.memory_space<vmem>>
      %dma_wait3A_122 = tpu.memref_squeeze %dma_wait3A_121 : memref<1x100x128xf32, #tpu.memory_space<vmem>> -> memref<100x128xf32, #tpu.memory_space<vmem>>
      %dma_wait3A_123 = arith.constant 0 : i32
      %dma_wait3A_124 = tpu.memref_slice %arg8[%add3A_116, %dma_wait3A_123] : memref<128x100xi32, #tpu.memory_space<vmem>> -> memref<1x100xi32, #tpu.memory_space<vmem>>
      %dma_wait3A_125 = tpu.memref_squeeze %dma_wait3A_124 : memref<1x100xi32, #tpu.memory_space<vmem>> -> memref<100xi32, #tpu.memory_space<vmem>>
      %dma_wait3A_126 = arith.constant 0 : i32
      %dma_wait3A_127 = arith.constant 0 : i32
      %dma_wait3A_128 = tpu.memref_slice %arg4[%dma_wait3A_126, %dma_wait3A_127] : memref<100000x128xf32, #tpu.memory_space<hbm>> -> memref<100000x128xf32, #tpu.memory_space<hbm>>
      %dma_wait3A_129 = tpu.memref_slice %arg14[%dma_wait3A_118] : memref<4x!tpu.dma_semaphore, #tpu.memory_space<semaphore_mem>> -> memref<1x!tpu.dma_semaphore, #tpu.memory_space<semaphore_mem>>
      %dma_wait3A_130 = tpu.memref_squeeze %dma_wait3A_129 : memref<1x!tpu.dma_semaphore, #tpu.memory_space<semaphore_mem>> -> memref<!tpu.dma_semaphore, #tpu.memory_space<semaphore_mem>>
      tpu.wait_indirect_dma semaphore(%dma_wait3A_130 : memref<!tpu.dma_semaphore, #tpu.memory_space<semaphore_mem>>) src(%dma_wait3A_128 : memref<100000x128xf32, #tpu.memory_space<hbm>>) dst(%dma_wait3A_122 : memref<100x128xf32, #tpu.memory_space<vmem>>)
      %gt3A = arith.constant 0 : i32
      %gt3A_131 = arith.cmpi sgt, %scan3A_112, %gt3A : i32
      %convert_element_type3A = arith.extui %gt3A_131 : i1 to i32
      %cond3A = arith.constant 0 : i32
      %cond3A_132 = arith.cmpi ne, %convert_element_type3A, %cond3A : i32
      scf.if %cond3A_132 {
        %dma_wait3A_418 = arith.constant 0 : i32
        %dma_wait3A_419 = arith.constant 0 : i32
        %dma_wait3A_420 = arith.constant 0 : i32
        %dma_wait3A_421 = arith.constant 0 : i32
        %dma_wait3A_422 = tpu.memref_slice %arg13[%dma_wait3A_418, %dma_wait3A_420, %dma_wait3A_421] : memref<2x100x64xf32, #tpu.memory_space<vmem>> -> memref<1x100x64xf32, #tpu.memory_space<vmem>>
        %dma_wait3A_423 = tpu.memref_squeeze %dma_wait3A_422 : memref<1x100x64xf32, #tpu.memory_space<vmem>> -> memref<100x64xf32, #tpu.memory_space<vmem>>
        %dma_wait3A_424 = arith.constant 0 : i32
        %dma_wait3A_425 = arith.constant 0 : i32
        %dma_wait3A_426 = tpu.memref_slice %arg7[%mul3A_2, %dma_wait3A_424, %dma_wait3A_425] : memref<4096x100x64xf32, #tpu.memory_space<hbm>> -> memref<1x100x64xf32, #tpu.memory_space<hbm>>
        %dma_wait3A_427 = tpu.memref_squeeze %dma_wait3A_426 : memref<1x100x64xf32, #tpu.memory_space<hbm>> -> memref<100x64xf32, #tpu.memory_space<hbm>>
        %dma_wait3A_428 = tpu.memref_slice %arg15[%dma_wait3A_419] : memref<2x!tpu.dma_semaphore, #tpu.memory_space<semaphore_mem>> -> memref<1x!tpu.dma_semaphore, #tpu.memory_space<semaphore_mem>>
        %dma_wait3A_429 = tpu.memref_squeeze %dma_wait3A_428 : memref<1x!tpu.dma_semaphore, #tpu.memory_space<semaphore_mem>> -> memref<!tpu.dma_semaphore, #tpu.memory_space<semaphore_mem>>
        %dma_wait3A_430 = arith.constant 0 : i32
        %dma_wait3A_431 = arith.constant 0 : i32
        %dma_wait3A_432 = tpu.memref_slice %arg7[%mul3A_2, %dma_wait3A_430, %dma_wait3A_431] : memref<4096x100x64xf32, #tpu.memory_space<hbm>> -> memref<1x100x64xf32, #tpu.memory_space<hbm>>
        %dma_wait3A_433 = tpu.memref_squeeze %dma_wait3A_432 : memref<1x100x64xf32, #tpu.memory_space<hbm>> -> memref<100x64xf32, #tpu.memory_space<hbm>>
        %dma_wait3A_434 = arith.constant 0 : i32
        %dma_wait3A_435 = arith.constant 0 : i32
        %dma_wait3A_436 = tpu.memref_slice %arg13[%dma_wait3A_418, %dma_wait3A_434, %dma_wait3A_435] : memref<2x100x64xf32, #tpu.memory_space<vmem>> -> memref<1x100x64xf32, #tpu.memory_space<vmem>>
        %dma_wait3A_437 = tpu.memref_squeeze %dma_wait3A_436 : memref<1x100x64xf32, #tpu.memory_space<vmem>> -> memref<100x64xf32, #tpu.memory_space<vmem>>
        tpu.wait_dma2 semaphore(%dma_wait3A_429 : memref<!tpu.dma_semaphore, #tpu.memory_space<semaphore_mem>>) src(%dma_wait3A_437 : memref<100x64xf32, #tpu.memory_space<vmem>>) dst(%dma_wait3A_433 : memref<100x64xf32, #tpu.memory_space<hbm>>)
      } else {
      }
      %get3A = arith.index_cast %add3A_116 : i32 to index
      %get3A_133 = arith.constant 0 : index
      %get3A_134 = tpu.vector_load %arg10[%get3A, %get3A_133] {strides = array<i32>} : memref<128x128xf32, #tpu.memory_space<vmem>>, vector<1x16xf32>,
      %get3A_135 = vector.shape_cast %get3A_134 : vector<1x16xf32> to vector<16xf32>
      %get3A_136 = arith.index_cast %add3A_116 : i32 to index
      %get3A_137 = arith.constant 16 : index
      %get3A_138 = tpu.vector_load %arg10[%get3A_136, %get3A_137] {strides = array<i32>} : memref<128x128xf32, #tpu.memory_space<vmem>>, vector<1x16xf32>,
      %get3A_139 = vector.shape_cast %get3A_138 : vector<1x16xf32> to vector<16xf32>
      %get3A_140 = arith.index_cast %add3A_116 : i32 to index
      %get3A_141 = arith.constant 32 : index
      %get3A_142 = tpu.vector_load %arg10[%get3A_140, %get3A_141] {strides = array<i32>} : memref<128x128xf32, #tpu.memory_space<vmem>>, vector<1x16xf32>,
      %get3A_143 = vector.shape_cast %get3A_142 : vector<1x16xf32> to vector<16xf32>
      %get3A_144 = arith.index_cast %add3A_116 : i32 to index
      %get3A_145 = arith.constant 48 : index
      %get3A_146 = tpu.vector_load %arg10[%get3A_144, %get3A_145] {strides = array<i32>} : memref<128x128xf32, #tpu.memory_space<vmem>>, vector<1x16xf32>,
      %get3A_147 = vector.shape_cast %get3A_146 : vector<1x16xf32> to vector<16xf32>
      %scan3A_148 = arith.constant 0 : i32
      %scan3A_149 = arith.constant 100 : i32
      %scan3A_150 = arith.addi %scan3A_148, %scan3A_149 : i32
      %scan3A_151 = arith.constant 1 : i32
      scf.for %scan3A_418 = %scan3A_148 to %scan3A_150 step %scan3A_151  : i32 {
        %get3A_419 = arith.constant 0 : i32
        %get3A_420 = arith.index_cast %get3A_419 : i32 to index
        %get3A_421 = arith.index_cast %scan3A_418 : i32 to index
        %get3A_422 = arith.constant 0 : index
        %get3A_423 = tpu.vector_load %arg12[%get3A_420, %get3A_421, %get3A_422] {strides = array<i32>} : memref<4x100x128xf32, #tpu.memory_space<vmem>>, vector<1x1x16xf32>,
        %get3A_424 = vector.shape_cast %get3A_423 : vector<1x1x16xf32> to vector<16xf32>
        %get3A_425 = arith.index_cast %scan3A_418 : i32 to index
        %get3A_426 = arith.constant 0 : index
        %get3A_427 = tpu.vector_load %arg11[%get3A_425, %get3A_426] {strides = array<i32>} : memref<100x64xf32, #tpu.memory_space<vmem>>, vector<1x16xf32>,
        %get3A_428 = vector.shape_cast %get3A_427 : vector<1x16xf32> to vector<16xf32>
        %add3A_429 = arith.addf %get3A_424, %get3A_428 : vector<16xf32>
        %add3A_430 = arith.addf %add3A_429, %get3A_135 : vector<16xf32>
        %swap3A = arith.constant 0 : i32
        %swap3A_431 = arith.index_cast %swap3A : i32 to index
        %swap3A_432 = arith.index_cast %scan3A_418 : i32 to index
        %swap3A_433 = arith.constant 0 : index
        %swap3A_434 = tpu.vector_load %arg13[%swap3A_431, %swap3A_432, %swap3A_433] {strides = array<i32>} : memref<2x100x64xf32, #tpu.memory_space<vmem>>, vector<1x1x16xf32>,
        %swap3A_435 = vector.shape_cast %swap3A_434 : vector<1x1x16xf32> to vector<16xf32>
        %swap3A_436 = vector.shape_cast %add3A_430 : vector<16xf32> to vector<1x1x16xf32>
        tpu.vector_store %arg13[%swap3A_431, %swap3A_432, %swap3A_433], %swap3A_436 {strides = array<i32>} : memref<2x100x64xf32, #tpu.memory_space<vmem>>, vector<1x1x16xf32>,
        %get3A_437 = arith.constant 0 : i32
        %get3A_438 = arith.index_cast %get3A_437 : i32 to index
        %get3A_439 = arith.index_cast %scan3A_418 : i32 to index
        %get3A_440 = arith.constant 16 : index
        %get3A_441 = tpu.vector_load %arg12[%get3A_438, %get3A_439, %get3A_440] {strides = array<i32>} : memref<4x100x128xf32, #tpu.memory_space<vmem>>, vector<1x1x16xf32>,
        %get3A_442 = vector.shape_cast %get3A_441 : vector<1x1x16xf32> to vector<16xf32>
        %get3A_443 = arith.index_cast %scan3A_418 : i32 to index
        %get3A_444 = arith.constant 16 : index
        %get3A_445 = tpu.vector_load %arg11[%get3A_443, %get3A_444] {strides = array<i32>} : memref<100x64xf32, #tpu.memory_space<vmem>>, vector<1x16xf32>,
        %get3A_446 = vector.shape_cast %get3A_445 : vector<1x16xf32> to vector<16xf32>
        %add3A_447 = arith.addf %get3A_442, %get3A_446 : vector<16xf32>
        %add3A_448 = arith.addf %add3A_447, %get3A_139 : vector<16xf32>
        %swap3A_449 = arith.constant 0 : i32
        %swap3A_450 = arith.index_cast %swap3A_449 : i32 to index
        %swap3A_451 = arith.index_cast %scan3A_418 : i32 to index
        %swap3A_452 = arith.constant 16 : index
        %swap3A_453 = tpu.vector_load %arg13[%swap3A_450, %swap3A_451, %swap3A_452] {strides = array<i32>} : memref<2x100x64xf32, #tpu.memory_space<vmem>>, vector<1x1x16xf32>,
        %swap3A_454 = vector.shape_cast %swap3A_453 : vector<1x1x16xf32> to vector<16xf32>
        %swap3A_455 = vector.shape_cast %add3A_448 : vector<16xf32> to vector<1x1x16xf32>
        tpu.vector_store %arg13[%swap3A_450, %swap3A_451, %swap3A_452], %swap3A_455 {strides = array<i32>} : memref<2x100x64xf32, #tpu.memory_space<vmem>>, vector<1x1x16xf32>,
        %get3A_456 = arith.constant 0 : i32
        %get3A_457 = arith.index_cast %get3A_456 : i32 to index
        %get3A_458 = arith.index_cast %scan3A_418 : i32 to index
        %get3A_459 = arith.constant 32 : index
        %get3A_460 = tpu.vector_load %arg12[%get3A_457, %get3A_458, %get3A_459] {strides = array<i32>} : memref<4x100x128xf32, #tpu.memory_space<vmem>>, vector<1x1x16xf32>,
        %get3A_461 = vector.shape_cast %get3A_460 : vector<1x1x16xf32> to vector<16xf32>
        %get3A_462 = arith.index_cast %scan3A_418 : i32 to index
        %get3A_463 = arith.constant 32 : index
        %get3A_464 = tpu.vector_load %arg11[%get3A_462, %get3A_463] {strides = array<i32>} : memref<100x64xf32, #tpu.memory_space<vmem>>, vector<1x16xf32>,
        %get3A_465 = vector.shape_cast %get3A_464 : vector<1x16xf32> to vector<16xf32>
        %add3A_466 = arith.addf %get3A_461, %get3A_465 : vector<16xf32>
        %add3A_467 = arith.addf %add3A_466, %get3A_143 : vector<16xf32>
        %swap3A_468 = arith.constant 0 : i32
        %swap3A_469 = arith.index_cast %swap3A_468 : i32 to index
        %swap3A_470 = arith.index_cast %scan3A_418 : i32 to index
        %swap3A_471 = arith.constant 32 : index
        %swap3A_472 = tpu.vector_load %arg13[%swap3A_469, %swap3A_470, %swap3A_471] {strides = array<i32>} : memref<2x100x64xf32, #tpu.memory_space<vmem>>, vector<1x1x16xf32>,
        %swap3A_473 = vector.shape_cast %swap3A_472 : vector<1x1x16xf32> to vector<16xf32>
        %swap3A_474 = vector.shape_cast %add3A_467 : vector<16xf32> to vector<1x1x16xf32>
        tpu.vector_store %arg13[%swap3A_469, %swap3A_470, %swap3A_471], %swap3A_474 {strides = array<i32>} : memref<2x100x64xf32, #tpu.memory_space<vmem>>, vector<1x1x16xf32>,
        %get3A_475 = arith.constant 0 : i32
        %get3A_476 = arith.index_cast %get3A_475 : i32 to index
        %get3A_477 = arith.index_cast %scan3A_418 : i32 to index
        %get3A_478 = arith.constant 48 : index
        %get3A_479 = tpu.vector_load %arg12[%get3A_476, %get3A_477, %get3A_478] {strides = array<i32>} : memref<4x100x128xf32, #tpu.memory_space<vmem>>, vector<1x1x16xf32>,
        %get3A_480 = vector.shape_cast %get3A_479 : vector<1x1x16xf32> to vector<16xf32>
        %get3A_481 = arith.index_cast %scan3A_418 : i32 to index
        %get3A_482 = arith.constant 48 : index
        %get3A_483 = tpu.vector_load %arg11[%get3A_481, %get3A_482] {strides = array<i32>} : memref<100x64xf32, #tpu.memory_space<vmem>>, vector<1x16xf32>,
        %get3A_484 = vector.shape_cast %get3A_483 : vector<1x16xf32> to vector<16xf32>
        %add3A_485 = arith.addf %get3A_480, %get3A_484 : vector<16xf32>
        %add3A_486 = arith.addf %add3A_485, %get3A_147 : vector<16xf32>
        %swap3A_487 = arith.constant 0 : i32
        %swap3A_488 = arith.index_cast %swap3A_487 : i32 to index
        %swap3A_489 = arith.index_cast %scan3A_418 : i32 to index
        %swap3A_490 = arith.constant 48 : index
        %swap3A_491 = tpu.vector_load %arg13[%swap3A_488, %swap3A_489, %swap3A_490] {strides = array<i32>} : memref<2x100x64xf32, #tpu.memory_space<vmem>>, vector<1x1x16xf32>,
        %swap3A_492 = vector.shape_cast %swap3A_491 : vector<1x1x16xf32> to vector<16xf32>
        %swap3A_493 = vector.shape_cast %add3A_486 : vector<16xf32> to vector<1x1x16xf32>
        tpu.vector_store %arg13[%swap3A_488, %swap3A_489, %swap3A_490], %swap3A_493 {strides = array<i32>} : memref<2x100x64xf32, #tpu.memory_space<vmem>>, vector<1x1x16xf32>,
      }
      %scan3A_152 = arith.constant 100 : i32
      %add3A_153 = arith.addi %mul3A_2, %add3A_116 : i32
      %dma_start3A_154 = arith.constant 0 : i32
      %dma_start3A_155 = arith.constant 0 : i32
      %dma_start3A_156 = arith.constant 0 : i32
      %dma_start3A_157 = arith.constant 0 : i32
      %dma_start3A_158 = tpu.memref_slice %arg13[%dma_start3A_154, %dma_start3A_156, %dma_start3A_157] : memref<2x100x64xf32, #tpu.memory_space<vmem>> -> memref<1x100x64xf32, #tpu.memory_space<vmem>>
      %dma_start3A_159 = tpu.memref_squeeze %dma_start3A_158 : memref<1x100x64xf32, #tpu.memory_space<vmem>> -> memref<100x64xf32, #tpu.memory_space<vmem>>
      %dma_start3A_160 = arith.constant 0 : i32
      %dma_start3A_161 = arith.constant 0 : i32
      %dma_start3A_162 = tpu.memref_slice %arg7[%add3A_153, %dma_start3A_160, %dma_start3A_161] : memref<4096x100x64xf32, #tpu.memory_space<hbm>> -> memref<1x100x64xf32, #tpu.memory_space<hbm>>
      %dma_start3A_163 = tpu.memref_squeeze %dma_start3A_162 : memref<1x100x64xf32, #tpu.memory_space<hbm>> -> memref<100x64xf32, #tpu.memory_space<hbm>>
      %dma_start3A_164 = tpu.memref_slice %arg15[%dma_start3A_155] : memref<2x!tpu.dma_semaphore, #tpu.memory_space<semaphore_mem>> -> memref<1x!tpu.dma_semaphore, #tpu.memory_space<semaphore_mem>>
      %dma_start3A_165 = tpu.memref_squeeze %dma_start3A_164 : memref<1x!tpu.dma_semaphore, #tpu.memory_space<semaphore_mem>> -> memref<!tpu.dma_semaphore, #tpu.memory_space<semaphore_mem>>
      %dma_start3A_166 = arith.constant 0 : i32
      %dma_start3A_167 = arith.constant 0 : i32
      %dma_start3A_168 = tpu.memref_slice %arg7[%add3A_153, %dma_start3A_166, %dma_start3A_167] : memref<4096x100x64xf32, #tpu.memory_space<hbm>> -> memref<1x100x64xf32, #tpu.memory_space<hbm>>
      %dma_start3A_169 = tpu.memref_squeeze %dma_start3A_168 : memref<1x100x64xf32, #tpu.memory_space<hbm>> -> memref<100x64xf32, #tpu.memory_space<hbm>>
      %dma_start3A_170 = arith.constant 0 : i32
      %dma_start3A_171 = arith.constant 0 : i32
      %dma_start3A_172 = tpu.memref_slice %arg13[%dma_start3A_154, %dma_start3A_170, %dma_start3A_171] : memref<2x100x64xf32, #tpu.memory_space<vmem>> -> memref<1x100x64xf32, #tpu.memory_space<vmem>>
      %dma_start3A_173 = tpu.memref_squeeze %dma_start3A_172 : memref<1x100x64xf32, #tpu.memory_space<vmem>> -> memref<100x64xf32, #tpu.memory_space<vmem>>
      tpu.enqueue_dma source(%dma_start3A_173 : memref<100x64xf32, #tpu.memory_space<vmem>>) target(%dma_start3A_169 : memref<100x64xf32, #tpu.memory_space<hbm>>) target_semaphore(%dma_start3A_165 : memref<!tpu.dma_semaphore, #tpu.memory_space<semaphore_mem>>)
      %lt3A = arith.constant 31 : i32
      %lt3A_174 = arith.cmpi slt, %scan3A_112, %lt3A : i32
      %convert_element_type3A_175 = arith.extui %lt3A_174 : i1 to i32
      %cond3A_176 = arith.constant 0 : i32
      %cond3A_177 = arith.cmpi ne, %convert_element_type3A_175, %cond3A_176 : i32
      scf.if %cond3A_177 {
        %add3A_418 = arith.constant 4 : i32
        %add3A_419 = arith.addi %add3A_116, %add3A_418 : i32
        %dma_start3A_420 = arith.constant 0 : i32
        %dma_start3A_421 = arith.constant 0 : i32
        %dma_start3A_422 = arith.constant 0 : i32
        %dma_start3A_423 = arith.constant 0 : i32
        %dma_start3A_424 = tpu.memref_slice %arg12[%dma_start3A_420, %dma_start3A_422, %dma_start3A_423] : memref<4x100x128xf32, #tpu.memory_space<vmem>> -> memref<1x100x128xf32, #tpu.memory_space<vmem>>
        %dma_start3A_425 = tpu.memref_squeeze %dma_start3A_424 : memref<1x100x128xf32, #tpu.memory_space<vmem>> -> memref<100x128xf32, #tpu.memory_space<vmem>>
        %dma_start3A_426 = arith.constant 0 : i32
        %dma_start3A_427 = tpu.memref_slice %arg8[%add3A_419, %dma_start3A_426] : memref<128x100xi32, #tpu.memory_space<vmem>> -> memref<1x100xi32, #tpu.memory_space<vmem>>
        %dma_start3A_428 = tpu.memref_squeeze %dma_start3A_427 : memref<1x100xi32, #tpu.memory_space<vmem>> -> memref<100xi32, #tpu.memory_space<vmem>>
        %dma_start3A_429 = arith.constant 0 : i32
        %dma_start3A_430 = arith.constant 0 : i32
        %dma_start3A_431 = tpu.memref_slice %arg4[%dma_start3A_429, %dma_start3A_430] : memref<100000x128xf32, #tpu.memory_space<hbm>> -> memref<100000x128xf32, #tpu.memory_space<hbm>>
        %dma_start3A_432 = tpu.memref_slice %arg14[%dma_start3A_421] : memref<4x!tpu.dma_semaphore, #tpu.memory_space<semaphore_mem>> -> memref<1x!tpu.dma_semaphore, #tpu.memory_space<semaphore_mem>>
        %dma_start3A_433 = tpu.memref_squeeze %dma_start3A_432 : memref<1x!tpu.dma_semaphore, #tpu.memory_space<semaphore_mem>> -> memref<!tpu.dma_semaphore, #tpu.memory_space<semaphore_mem>>
        tpu.enqueue_indirect_dma source(%dma_start3A_431 : memref<100000x128xf32, #tpu.memory_space<hbm>>) target(%dma_start3A_425 : memref<100x128xf32, #tpu.memory_space<vmem>>) offsets(%dma_start3A_428 : memref<100xi32, #tpu.memory_space<vmem>>) semaphore(%dma_start3A_433 : memref<!tpu.dma_semaphore, #tpu.memory_space<semaphore_mem>>)
      } else {
      }
      %mul3A_178 = arith.constant 4 : i32
      %mul3A_179 = arith.muli %scan3A_112, %mul3A_178 : i32
      %add3A_180 = arith.constant 1 : i32
      %add3A_181 = arith.addi %mul3A_179, %add3A_180 : i32
      %dma_wait3A_182 = arith.constant 1 : i32
      %dma_wait3A_183 = arith.constant 1 : i32
      %dma_wait3A_184 = arith.constant 0 : i32
      %dma_wait3A_185 = arith.constant 0 : i32
      %dma_wait3A_186 = tpu.memref_slice %arg12[%dma_wait3A_182, %dma_wait3A_184, %dma_wait3A_185] : memref<4x100x128xf32, #tpu.memory_space<vmem>> -> memref<1x100x128xf32, #tpu.memory_space<vmem>>
      %dma_wait3A_187 = tpu.memref_squeeze %dma_wait3A_186 : memref<1x100x128xf32, #tpu.memory_space<vmem>> -> memref<100x128xf32, #tpu.memory_space<vmem>>
      %dma_wait3A_188 = arith.constant 0 : i32
      %dma_wait3A_189 = tpu.memref_slice %arg8[%add3A_181, %dma_wait3A_188] : memref<128x100xi32, #tpu.memory_space<vmem>> -> memref<1x100xi32, #tpu.memory_space<vmem>>
      %dma_wait3A_190 = tpu.memref_squeeze %dma_wait3A_189 : memref<1x100xi32, #tpu.memory_space<vmem>> -> memref<100xi32, #tpu.memory_space<vmem>>
      %dma_wait3A_191 = arith.constant 0 : i32
      %dma_wait3A_192 = arith.constant 0 : i32
      %dma_wait3A_193 = tpu.memref_slice %arg4[%dma_wait3A_191, %dma_wait3A_192] : memref<100000x128xf32, #tpu.memory_space<hbm>> -> memref<100000x128xf32, #tpu.memory_space<hbm>>
      %dma_wait3A_194 = tpu.memref_slice %arg14[%dma_wait3A_183] : memref<4x!tpu.dma_semaphore, #tpu.memory_space<semaphore_mem>> -> memref<1x!tpu.dma_semaphore, #tpu.memory_space<semaphore_mem>>
      %dma_wait3A_195 = tpu.memref_squeeze %dma_wait3A_194 : memref<1x!tpu.dma_semaphore, #tpu.memory_space<semaphore_mem>> -> memref<!tpu.dma_semaphore, #tpu.memory_space<semaphore_mem>>
      tpu.wait_indirect_dma semaphore(%dma_wait3A_195 : memref<!tpu.dma_semaphore, #tpu.memory_space<semaphore_mem>>) src(%dma_wait3A_193 : memref<100000x128xf32, #tpu.memory_space<hbm>>) dst(%dma_wait3A_187 : memref<100x128xf32, #tpu.memory_space<vmem>>)
      %gt3A_196 = arith.constant 0 : i32
      %gt3A_197 = arith.cmpi sgt, %scan3A_112, %gt3A_196 : i32
      %convert_element_type3A_198 = arith.extui %gt3A_197 : i1 to i32
      %cond3A_199 = arith.constant 0 : i32
      %cond3A_200 = arith.cmpi ne, %convert_element_type3A_198, %cond3A_199 : i32
      scf.if %cond3A_200 {
        %dma_wait3A_418 = arith.constant 1 : i32
        %dma_wait3A_419 = arith.constant 1 : i32
        %dma_wait3A_420 = arith.constant 0 : i32
        %dma_wait3A_421 = arith.constant 0 : i32
        %dma_wait3A_422 = tpu.memref_slice %arg13[%dma_wait3A_418, %dma_wait3A_420, %dma_wait3A_421] : memref<2x100x64xf32, #tpu.memory_space<vmem>> -> memref<1x100x64xf32, #tpu.memory_space<vmem>>
        %dma_wait3A_423 = tpu.memref_squeeze %dma_wait3A_422 : memref<1x100x64xf32, #tpu.memory_space<vmem>> -> memref<100x64xf32, #tpu.memory_space<vmem>>
        %dma_wait3A_424 = arith.constant 0 : i32
        %dma_wait3A_425 = arith.constant 0 : i32
        %dma_wait3A_426 = tpu.memref_slice %arg7[%mul3A_2, %dma_wait3A_424, %dma_wait3A_425] : memref<4096x100x64xf32, #tpu.memory_space<hbm>> -> memref<1x100x64xf32, #tpu.memory_space<hbm>>
        %dma_wait3A_427 = tpu.memref_squeeze %dma_wait3A_426 : memref<1x100x64xf32, #tpu.memory_space<hbm>> -> memref<100x64xf32, #tpu.memory_space<hbm>>
        %dma_wait3A_428 = tpu.memref_slice %arg15[%dma_wait3A_419] : memref<2x!tpu.dma_semaphore, #tpu.memory_space<semaphore_mem>> -> memref<1x!tpu.dma_semaphore, #tpu.memory_space<semaphore_mem>>
        %dma_wait3A_429 = tpu.memref_squeeze %dma_wait3A_428 : memref<1x!tpu.dma_semaphore, #tpu.memory_space<semaphore_mem>> -> memref<!tpu.dma_semaphore, #tpu.memory_space<semaphore_mem>>
        %dma_wait3A_430 = arith.constant 0 : i32
        %dma_wait3A_431 = arith.constant 0 : i32
        %dma_wait3A_432 = tpu.memref_slice %arg7[%mul3A_2, %dma_wait3A_430, %dma_wait3A_431] : memref<4096x100x64xf32, #tpu.memory_space<hbm>> -> memref<1x100x64xf32, #tpu.memory_space<hbm>>
        %dma_wait3A_433 = tpu.memref_squeeze %dma_wait3A_432 : memref<1x100x64xf32, #tpu.memory_space<hbm>> -> memref<100x64xf32, #tpu.memory_space<hbm>>
        %dma_wait3A_434 = arith.constant 0 : i32
        %dma_wait3A_435 = arith.constant 0 : i32
        %dma_wait3A_436 = tpu.memref_slice %arg13[%dma_wait3A_418, %dma_wait3A_434, %dma_wait3A_435] : memref<2x100x64xf32, #tpu.memory_space<vmem>> -> memref<1x100x64xf32, #tpu.memory_space<vmem>>
        %dma_wait3A_437 = tpu.memref_squeeze %dma_wait3A_436 : memref<1x100x64xf32, #tpu.memory_space<vmem>> -> memref<100x64xf32, #tpu.memory_space<vmem>>
        tpu.wait_dma2 semaphore(%dma_wait3A_429 : memref<!tpu.dma_semaphore, #tpu.memory_space<semaphore_mem>>) src(%dma_wait3A_437 : memref<100x64xf32, #tpu.memory_space<vmem>>) dst(%dma_wait3A_433 : memref<100x64xf32, #tpu.memory_space<hbm>>)
      } else {
      }
      %get3A_201 = arith.index_cast %add3A_181 : i32 to index
      %get3A_202 = arith.constant 0 : index
      %get3A_203 = tpu.vector_load %arg10[%get3A_201, %get3A_202] {strides = array<i32>} : memref<128x128xf32, #tpu.memory_space<vmem>>, vector<1x16xf32>,
      %get3A_204 = vector.shape_cast %get3A_203 : vector<1x16xf32> to vector<16xf32>
      %get3A_205 = arith.index_cast %add3A_181 : i32 to index
      %get3A_206 = arith.constant 16 : index
      %get3A_207 = tpu.vector_load %arg10[%get3A_205, %get3A_206] {strides = array<i32>} : memref<128x128xf32, #tpu.memory_space<vmem>>, vector<1x16xf32>,
      %get3A_208 = vector.shape_cast %get3A_207 : vector<1x16xf32> to vector<16xf32>
      %get3A_209 = arith.index_cast %add3A_181 : i32 to index
      %get3A_210 = arith.constant 32 : index
      %get3A_211 = tpu.vector_load %arg10[%get3A_209, %get3A_210] {strides = array<i32>} : memref<128x128xf32, #tpu.memory_space<vmem>>, vector<1x16xf32>,
      %get3A_212 = vector.shape_cast %get3A_211 : vector<1x16xf32> to vector<16xf32>
      %get3A_213 = arith.index_cast %add3A_181 : i32 to index
      %get3A_214 = arith.constant 48 : index
      %get3A_215 = tpu.vector_load %arg10[%get3A_213, %get3A_214] {strides = array<i32>} : memref<128x128xf32, #tpu.memory_space<vmem>>, vector<1x16xf32>,
      %get3A_216 = vector.shape_cast %get3A_215 : vector<1x16xf32> to vector<16xf32>
      %scan3A_217 = arith.constant 0 : i32
      %scan3A_218 = arith.constant 100 : i32
      %scan3A_219 = arith.addi %scan3A_217, %scan3A_218 : i32
      %scan3A_220 = arith.constant 1 : i32
      scf.for %scan3A_418 = %scan3A_217 to %scan3A_219 step %scan3A_220  : i32 {
        %get3A_419 = arith.constant 1 : i32
        %get3A_420 = arith.index_cast %get3A_419 : i32 to index
        %get3A_421 = arith.index_cast %scan3A_418 : i32 to index
        %get3A_422 = arith.constant 0 : index
        %get3A_423 = tpu.vector_load %arg12[%get3A_420, %get3A_421, %get3A_422] {strides = array<i32>} : memref<4x100x128xf32, #tpu.memory_space<vmem>>, vector<1x1x16xf32>,
        %get3A_424 = vector.shape_cast %get3A_423 : vector<1x1x16xf32> to vector<16xf32>
        %get3A_425 = arith.index_cast %scan3A_418 : i32 to index
        %get3A_426 = arith.constant 0 : index
        %get3A_427 = tpu.vector_load %arg11[%get3A_425, %get3A_426] {strides = array<i32>} : memref<100x64xf32, #tpu.memory_space<vmem>>, vector<1x16xf32>,
        %get3A_428 = vector.shape_cast %get3A_427 : vector<1x16xf32> to vector<16xf32>
        %add3A_429 = arith.addf %get3A_424, %get3A_428 : vector<16xf32>
        %add3A_430 = arith.addf %add3A_429, %get3A_204 : vector<16xf32>
        %swap3A = arith.constant 1 : i32
        %swap3A_431 = arith.index_cast %swap3A : i32 to index
        %swap3A_432 = arith.index_cast %scan3A_418 : i32 to index
        %swap3A_433 = arith.constant 0 : index
        %swap3A_434 = tpu.vector_load %arg13[%swap3A_431, %swap3A_432, %swap3A_433] {strides = array<i32>} : memref<2x100x64xf32, #tpu.memory_space<vmem>>, vector<1x1x16xf32>,
        %swap3A_435 = vector.shape_cast %swap3A_434 : vector<1x1x16xf32> to vector<16xf32>
        %swap3A_436 = vector.shape_cast %add3A_430 : vector<16xf32> to vector<1x1x16xf32>
        tpu.vector_store %arg13[%swap3A_431, %swap3A_432, %swap3A_433], %swap3A_436 {strides = array<i32>} : memref<2x100x64xf32, #tpu.memory_space<vmem>>, vector<1x1x16xf32>,
        %get3A_437 = arith.constant 1 : i32
        %get3A_438 = arith.index_cast %get3A_437 : i32 to index
        %get3A_439 = arith.index_cast %scan3A_418 : i32 to index
        %get3A_440 = arith.constant 16 : index
        %get3A_441 = tpu.vector_load %arg12[%get3A_438, %get3A_439, %get3A_440] {strides = array<i32>} : memref<4x100x128xf32, #tpu.memory_space<vmem>>, vector<1x1x16xf32>,
        %get3A_442 = vector.shape_cast %get3A_441 : vector<1x1x16xf32> to vector<16xf32>
        %get3A_443 = arith.index_cast %scan3A_418 : i32 to index
        %get3A_444 = arith.constant 16 : index
        %get3A_445 = tpu.vector_load %arg11[%get3A_443, %get3A_444] {strides = array<i32>} : memref<100x64xf32, #tpu.memory_space<vmem>>, vector<1x16xf32>,
        %get3A_446 = vector.shape_cast %get3A_445 : vector<1x16xf32> to vector<16xf32>
        %add3A_447 = arith.addf %get3A_442, %get3A_446 : vector<16xf32>
        %add3A_448 = arith.addf %add3A_447, %get3A_208 : vector<16xf32>
        %swap3A_449 = arith.constant 1 : i32
        %swap3A_450 = arith.index_cast %swap3A_449 : i32 to index
        %swap3A_451 = arith.index_cast %scan3A_418 : i32 to index
        %swap3A_452 = arith.constant 16 : index
        %swap3A_453 = tpu.vector_load %arg13[%swap3A_450, %swap3A_451, %swap3A_452] {strides = array<i32>} : memref<2x100x64xf32, #tpu.memory_space<vmem>>, vector<1x1x16xf32>,
        %swap3A_454 = vector.shape_cast %swap3A_453 : vector<1x1x16xf32> to vector<16xf32>
        %swap3A_455 = vector.shape_cast %add3A_448 : vector<16xf32> to vector<1x1x16xf32>
        tpu.vector_store %arg13[%swap3A_450, %swap3A_451, %swap3A_452], %swap3A_455 {strides = array<i32>} : memref<2x100x64xf32, #tpu.memory_space<vmem>>, vector<1x1x16xf32>,
        %get3A_456 = arith.constant 1 : i32
        %get3A_457 = arith.index_cast %get3A_456 : i32 to index
        %get3A_458 = arith.index_cast %scan3A_418 : i32 to index
        %get3A_459 = arith.constant 32 : index
        %get3A_460 = tpu.vector_load %arg12[%get3A_457, %get3A_458, %get3A_459] {strides = array<i32>} : memref<4x100x128xf32, #tpu.memory_space<vmem>>, vector<1x1x16xf32>,
        %get3A_461 = vector.shape_cast %get3A_460 : vector<1x1x16xf32> to vector<16xf32>
        %get3A_462 = arith.index_cast %scan3A_418 : i32 to index
        %get3A_463 = arith.constant 32 : index
        %get3A_464 = tpu.vector_load %arg11[%get3A_462, %get3A_463] {strides = array<i32>} : memref<100x64xf32, #tpu.memory_space<vmem>>, vector<1x16xf32>,
        %get3A_465 = vector.shape_cast %get3A_464 : vector<1x16xf32> to vector<16xf32>
        %add3A_466 = arith.addf %get3A_461, %get3A_465 : vector<16xf32>
        %add3A_467 = arith.addf %add3A_466, %get3A_212 : vector<16xf32>
        %swap3A_468 = arith.constant 1 : i32
        %swap3A_469 = arith.index_cast %swap3A_468 : i32 to index
        %swap3A_470 = arith.index_cast %scan3A_418 : i32 to index
        %swap3A_471 = arith.constant 32 : index
        %swap3A_472 = tpu.vector_load %arg13[%swap3A_469, %swap3A_470, %swap3A_471] {strides = array<i32>} : memref<2x100x64xf32, #tpu.memory_space<vmem>>, vector<1x1x16xf32>,
        %swap3A_473 = vector.shape_cast %swap3A_472 : vector<1x1x16xf32> to vector<16xf32>
        %swap3A_474 = vector.shape_cast %add3A_467 : vector<16xf32> to vector<1x1x16xf32>
        tpu.vector_store %arg13[%swap3A_469, %swap3A_470, %swap3A_471], %swap3A_474 {strides = array<i32>} : memref<2x100x64xf32, #tpu.memory_space<vmem>>, vector<1x1x16xf32>,
        %get3A_475 = arith.constant 1 : i32
        %get3A_476 = arith.index_cast %get3A_475 : i32 to index
        %get3A_477 = arith.index_cast %scan3A_418 : i32 to index
        %get3A_478 = arith.constant 48 : index
        %get3A_479 = tpu.vector_load %arg12[%get3A_476, %get3A_477, %get3A_478] {strides = array<i32>} : memref<4x100x128xf32, #tpu.memory_space<vmem>>, vector<1x1x16xf32>,
        %get3A_480 = vector.shape_cast %get3A_479 : vector<1x1x16xf32> to vector<16xf32>
        %get3A_481 = arith.index_cast %scan3A_418 : i32 to index
        %get3A_482 = arith.constant 48 : index
        %get3A_483 = tpu.vector_load %arg11[%get3A_481, %get3A_482] {strides = array<i32>} : memref<100x64xf32, #tpu.memory_space<vmem>>, vector<1x16xf32>,
        %get3A_484 = vector.shape_cast %get3A_483 : vector<1x16xf32> to vector<16xf32>
        %add3A_485 = arith.addf %get3A_480, %get3A_484 : vector<16xf32>
        %add3A_486 = arith.addf %add3A_485, %get3A_216 : vector<16xf32>
        %swap3A_487 = arith.constant 1 : i32
        %swap3A_488 = arith.index_cast %swap3A_487 : i32 to index
        %swap3A_489 = arith.index_cast %scan3A_418 : i32 to index
        %swap3A_490 = arith.constant 48 : index
        %swap3A_491 = tpu.vector_load %arg13[%swap3A_488, %swap3A_489, %swap3A_490] {strides = array<i32>} : memref<2x100x64xf32, #tpu.memory_space<vmem>>, vector<1x1x16xf32>,
        %swap3A_492 = vector.shape_cast %swap3A_491 : vector<1x1x16xf32> to vector<16xf32>
        %swap3A_493 = vector.shape_cast %add3A_486 : vector<16xf32> to vector<1x1x16xf32>
        tpu.vector_store %arg13[%swap3A_488, %swap3A_489, %swap3A_490], %swap3A_493 {strides = array<i32>} : memref<2x100x64xf32, #tpu.memory_space<vmem>>, vector<1x1x16xf32>,
      }
      %scan3A_221 = arith.constant 100 : i32
      %add3A_222 = arith.addi %mul3A_2, %add3A_181 : i32
      %dma_start3A_223 = arith.constant 1 : i32
      %dma_start3A_224 = arith.constant 1 : i32
      %dma_start3A_225 = arith.constant 0 : i32
      %dma_start3A_226 = arith.constant 0 : i32
      %dma_start3A_227 = tpu.memref_slice %arg13[%dma_start3A_223, %dma_start3A_225, %dma_start3A_226] : memref<2x100x64xf32, #tpu.memory_space<vmem>> -> memref<1x100x64xf32, #tpu.memory_space<vmem>>
      %dma_start3A_228 = tpu.memref_squeeze %dma_start3A_227 : memref<1x100x64xf32, #tpu.memory_space<vmem>> -> memref<100x64xf32, #tpu.memory_space<vmem>>
      %dma_start3A_229 = arith.constant 0 : i32
      %dma_start3A_230 = arith.constant 0 : i32
      %dma_start3A_231 = tpu.memref_slice %arg7[%add3A_222, %dma_start3A_229, %dma_start3A_230] : memref<4096x100x64xf32, #tpu.memory_space<hbm>> -> memref<1x100x64xf32, #tpu.memory_space<hbm>>
      %dma_start3A_232 = tpu.memref_squeeze %dma_start3A_231 : memref<1x100x64xf32, #tpu.memory_space<hbm>> -> memref<100x64xf32, #tpu.memory_space<hbm>>
      %dma_start3A_233 = tpu.memref_slice %arg15[%dma_start3A_224] : memref<2x!tpu.dma_semaphore, #tpu.memory_space<semaphore_mem>> -> memref<1x!tpu.dma_semaphore, #tpu.memory_space<semaphore_mem>>
      %dma_start3A_234 = tpu.memref_squeeze %dma_start3A_233 : memref<1x!tpu.dma_semaphore, #tpu.memory_space<semaphore_mem>> -> memref<!tpu.dma_semaphore, #tpu.memory_space<semaphore_mem>>
      %dma_start3A_235 = arith.constant 0 : i32
      %dma_start3A_236 = arith.constant 0 : i32
      %dma_start3A_237 = tpu.memref_slice %arg7[%add3A_222, %dma_start3A_235, %dma_start3A_236] : memref<4096x100x64xf32, #tpu.memory_space<hbm>> -> memref<1x100x64xf32, #tpu.memory_space<hbm>>
      %dma_start3A_238 = tpu.memref_squeeze %dma_start3A_237 : memref<1x100x64xf32, #tpu.memory_space<hbm>> -> memref<100x64xf32, #tpu.memory_space<hbm>>
      %dma_start3A_239 = arith.constant 0 : i32
      %dma_start3A_240 = arith.constant 0 : i32
      %dma_start3A_241 = tpu.memref_slice %arg13[%dma_start3A_223, %dma_start3A_239, %dma_start3A_240] : memref<2x100x64xf32, #tpu.memory_space<vmem>> -> memref<1x100x64xf32, #tpu.memory_space<vmem>>
      %dma_start3A_242 = tpu.memref_squeeze %dma_start3A_241 : memref<1x100x64xf32, #tpu.memory_space<vmem>> -> memref<100x64xf32, #tpu.memory_space<vmem>>
      tpu.enqueue_dma source(%dma_start3A_242 : memref<100x64xf32, #tpu.memory_space<vmem>>) target(%dma_start3A_238 : memref<100x64xf32, #tpu.memory_space<hbm>>) target_semaphore(%dma_start3A_234 : memref<!tpu.dma_semaphore, #tpu.memory_space<semaphore_mem>>)
      %lt3A_243 = arith.constant 31 : i32
      %lt3A_244 = arith.cmpi slt, %scan3A_112, %lt3A_243 : i32
      %convert_element_type3A_245 = arith.extui %lt3A_244 : i1 to i32
      %cond3A_246 = arith.constant 0 : i32
      %cond3A_247 = arith.cmpi ne, %convert_element_type3A_245, %cond3A_246 : i32
      scf.if %cond3A_247 {
        %add3A_418 = arith.constant 4 : i32
        %add3A_419 = arith.addi %add3A_181, %add3A_418 : i32
        %dma_start3A_420 = arith.constant 1 : i32
        %dma_start3A_421 = arith.constant 1 : i32
        %dma_start3A_422 = arith.constant 0 : i32
        %dma_start3A_423 = arith.constant 0 : i32
        %dma_start3A_424 = tpu.memref_slice %arg12[%dma_start3A_420, %dma_start3A_422, %dma_start3A_423] : memref<4x100x128xf32, #tpu.memory_space<vmem>> -> memref<1x100x128xf32, #tpu.memory_space<vmem>>
        %dma_start3A_425 = tpu.memref_squeeze %dma_start3A_424 : memref<1x100x128xf32, #tpu.memory_space<vmem>> -> memref<100x128xf32, #tpu.memory_space<vmem>>
        %dma_start3A_426 = arith.constant 0 : i32
        %dma_start3A_427 = tpu.memref_slice %arg8[%add3A_419, %dma_start3A_426] : memref<128x100xi32, #tpu.memory_space<vmem>> -> memref<1x100xi32, #tpu.memory_space<vmem>>
        %dma_start3A_428 = tpu.memref_squeeze %dma_start3A_427 : memref<1x100xi32, #tpu.memory_space<vmem>> -> memref<100xi32, #tpu.memory_space<vmem>>
        %dma_start3A_429 = arith.constant 0 : i32
        %dma_start3A_430 = arith.constant 0 : i32
        %dma_start3A_431 = tpu.memref_slice %arg4[%dma_start3A_429, %dma_start3A_430] : memref<100000x128xf32, #tpu.memory_space<hbm>> -> memref<100000x128xf32, #tpu.memory_space<hbm>>
        %dma_start3A_432 = tpu.memref_slice %arg14[%dma_start3A_421] : memref<4x!tpu.dma_semaphore, #tpu.memory_space<semaphore_mem>> -> memref<1x!tpu.dma_semaphore, #tpu.memory_space<semaphore_mem>>
        %dma_start3A_433 = tpu.memref_squeeze %dma_start3A_432 : memref<1x!tpu.dma_semaphore, #tpu.memory_space<semaphore_mem>> -> memref<!tpu.dma_semaphore, #tpu.memory_space<semaphore_mem>>
        tpu.enqueue_indirect_dma source(%dma_start3A_431 : memref<100000x128xf32, #tpu.memory_space<hbm>>) target(%dma_start3A_425 : memref<100x128xf32, #tpu.memory_space<vmem>>) offsets(%dma_start3A_428 : memref<100xi32, #tpu.memory_space<vmem>>) semaphore(%dma_start3A_433 : memref<!tpu.dma_semaphore, #tpu.memory_space<semaphore_mem>>)
      } else {
      }
      %mul3A_248 = arith.constant 4 : i32
      %mul3A_249 = arith.muli %scan3A_112, %mul3A_248 : i32
      %add3A_250 = arith.constant 2 : i32
      %add3A_251 = arith.addi %mul3A_249, %add3A_250 : i32
      %dma_wait3A_252 = arith.constant 2 : i32
      %dma_wait3A_253 = arith.constant 2 : i32
      %dma_wait3A_254 = arith.constant 0 : i32
      %dma_wait3A_255 = arith.constant 0 : i32
      %dma_wait3A_256 = tpu.memref_slice %arg12[%dma_wait3A_252, %dma_wait3A_254, %dma_wait3A_255] : memref<4x100x128xf32, #tpu.memory_space<vmem>> -> memref<1x100x128xf32, #tpu.memory_space<vmem>>
      %dma_wait3A_257 = tpu.memref_squeeze %dma_wait3A_256 : memref<1x100x128xf32, #tpu.memory_space<vmem>> -> memref<100x128xf32, #tpu.memory_space<vmem>>
      %dma_wait3A_258 = arith.constant 0 : i32
      %dma_wait3A_259 = tpu.memref_slice %arg8[%add3A_251, %dma_wait3A_258] : memref<128x100xi32, #tpu.memory_space<vmem>> -> memref<1x100xi32, #tpu.memory_space<vmem>>
      %dma_wait3A_260 = tpu.memref_squeeze %dma_wait3A_259 : memref<1x100xi32, #tpu.memory_space<vmem>> -> memref<100xi32, #tpu.memory_space<vmem>>
      %dma_wait3A_261 = arith.constant 0 : i32
      %dma_wait3A_262 = arith.constant 0 : i32
      %dma_wait3A_263 = tpu.memref_slice %arg4[%dma_wait3A_261, %dma_wait3A_262] : memref<100000x128xf32, #tpu.memory_space<hbm>> -> memref<100000x128xf32, #tpu.memory_space<hbm>>
      %dma_wait3A_264 = tpu.memref_slice %arg14[%dma_wait3A_253] : memref<4x!tpu.dma_semaphore, #tpu.memory_space<semaphore_mem>> -> memref<1x!tpu.dma_semaphore, #tpu.memory_space<semaphore_mem>>
      %dma_wait3A_265 = tpu.memref_squeeze %dma_wait3A_264 : memref<1x!tpu.dma_semaphore, #tpu.memory_space<semaphore_mem>> -> memref<!tpu.dma_semaphore, #tpu.memory_space<semaphore_mem>>
      tpu.wait_indirect_dma semaphore(%dma_wait3A_265 : memref<!tpu.dma_semaphore, #tpu.memory_space<semaphore_mem>>) src(%dma_wait3A_263 : memref<100000x128xf32, #tpu.memory_space<hbm>>) dst(%dma_wait3A_257 : memref<100x128xf32, #tpu.memory_space<vmem>>)
      %dma_wait3A_266 = arith.constant 0 : i32
      %dma_wait3A_267 = arith.constant 0 : i32
      %dma_wait3A_268 = arith.constant 0 : i32
      %dma_wait3A_269 = arith.constant 0 : i32
      %dma_wait3A_270 = tpu.memref_slice %arg13[%dma_wait3A_266, %dma_wait3A_268, %dma_wait3A_269] : memref<2x100x64xf32, #tpu.memory_space<vmem>> -> memref<1x100x64xf32, #tpu.memory_space<vmem>>
      %dma_wait3A_271 = tpu.memref_squeeze %dma_wait3A_270 : memref<1x100x64xf32, #tpu.memory_space<vmem>> -> memref<100x64xf32, #tpu.memory_space<vmem>>
      %dma_wait3A_272 = arith.constant 0 : i32
      %dma_wait3A_273 = arith.constant 0 : i32
      %dma_wait3A_274 = tpu.memref_slice %arg7[%mul3A_2, %dma_wait3A_272, %dma_wait3A_273] : memref<4096x100x64xf32, #tpu.memory_space<hbm>> -> memref<1x100x64xf32, #tpu.memory_space<hbm>>
      %dma_wait3A_275 = tpu.memref_squeeze %dma_wait3A_274 : memref<1x100x64xf32, #tpu.memory_space<hbm>> -> memref<100x64xf32, #tpu.memory_space<hbm>>
      %dma_wait3A_276 = tpu.memref_slice %arg15[%dma_wait3A_267] : memref<2x!tpu.dma_semaphore, #tpu.memory_space<semaphore_mem>> -> memref<1x!tpu.dma_semaphore, #tpu.memory_space<semaphore_mem>>
      %dma_wait3A_277 = tpu.memref_squeeze %dma_wait3A_276 : memref<1x!tpu.dma_semaphore, #tpu.memory_space<semaphore_mem>> -> memref<!tpu.dma_semaphore, #tpu.memory_space<semaphore_mem>>
      %dma_wait3A_278 = arith.constant 0 : i32
      %dma_wait3A_279 = arith.constant 0 : i32
      %dma_wait3A_280 = tpu.memref_slice %arg7[%mul3A_2, %dma_wait3A_278, %dma_wait3A_279] : memref<4096x100x64xf32, #tpu.memory_space<hbm>> -> memref<1x100x64xf32, #tpu.memory_space<hbm>>
      %dma_wait3A_281 = tpu.memref_squeeze %dma_wait3A_280 : memref<1x100x64xf32, #tpu.memory_space<hbm>> -> memref<100x64xf32, #tpu.memory_space<hbm>>
      %dma_wait3A_282 = arith.constant 0 : i32
      %dma_wait3A_283 = arith.constant 0 : i32
      %dma_wait3A_284 = tpu.memref_slice %arg13[%dma_wait3A_266, %dma_wait3A_282, %dma_wait3A_283] : memref<2x100x64xf32, #tpu.memory_space<vmem>> -> memref<1x100x64xf32, #tpu.memory_space<vmem>>
      %dma_wait3A_285 = tpu.memref_squeeze %dma_wait3A_284 : memref<1x100x64xf32, #tpu.memory_space<vmem>> -> memref<100x64xf32, #tpu.memory_space<vmem>>
      tpu.wait_dma2 semaphore(%dma_wait3A_277 : memref<!tpu.dma_semaphore, #tpu.memory_space<semaphore_mem>>) src(%dma_wait3A_285 : memref<100x64xf32, #tpu.memory_space<vmem>>) dst(%dma_wait3A_281 : memref<100x64xf32, #tpu.memory_space<hbm>>)
      %get3A_286 = arith.index_cast %add3A_251 : i32 to index
      %get3A_287 = arith.constant 0 : index
      %get3A_288 = tpu.vector_load %arg10[%get3A_286, %get3A_287] {strides = array<i32>} : memref<128x128xf32, #tpu.memory_space<vmem>>, vector<1x16xf32>,
      %get3A_289 = vector.shape_cast %get3A_288 : vector<1x16xf32> to vector<16xf32>
      %get3A_290 = arith.index_cast %add3A_251 : i32 to index
      %get3A_291 = arith.constant 16 : index
      %get3A_292 = tpu.vector_load %arg10[%get3A_290, %get3A_291] {strides = array<i32>} : memref<128x128xf32, #tpu.memory_space<vmem>>, vector<1x16xf32>,
      %get3A_293 = vector.shape_cast %get3A_292 : vector<1x16xf32> to vector<16xf32>
      %get3A_294 = arith.index_cast %add3A_251 : i32 to index
      %get3A_295 = arith.constant 32 : index
      %get3A_296 = tpu.vector_load %arg10[%get3A_294, %get3A_295] {strides = array<i32>} : memref<128x128xf32, #tpu.memory_space<vmem>>, vector<1x16xf32>,
      %get3A_297 = vector.shape_cast %get3A_296 : vector<1x16xf32> to vector<16xf32>
      %get3A_298 = arith.index_cast %add3A_251 : i32 to index
      %get3A_299 = arith.constant 48 : index
      %get3A_300 = tpu.vector_load %arg10[%get3A_298, %get3A_299] {strides = array<i32>} : memref<128x128xf32, #tpu.memory_space<vmem>>, vector<1x16xf32>,
      %get3A_301 = vector.shape_cast %get3A_300 : vector<1x16xf32> to vector<16xf32>
      %scan3A_302 = arith.constant 0 : i32
      %scan3A_303 = arith.constant 100 : i32
      %scan3A_304 = arith.addi %scan3A_302, %scan3A_303 : i32
      %scan3A_305 = arith.constant 1 : i32
      scf.for %scan3A_418 = %scan3A_302 to %scan3A_304 step %scan3A_305  : i32 {
        %get3A_419 = arith.constant 2 : i32
        %get3A_420 = arith.index_cast %get3A_419 : i32 to index
        %get3A_421 = arith.index_cast %scan3A_418 : i32 to index
        %get3A_422 = arith.constant 0 : index
        %get3A_423 = tpu.vector_load %arg12[%get3A_420, %get3A_421, %get3A_422] {strides = array<i32>} : memref<4x100x128xf32, #tpu.memory_space<vmem>>, vector<1x1x16xf32>,
        %get3A_424 = vector.shape_cast %get3A_423 : vector<1x1x16xf32> to vector<16xf32>
        %get3A_425 = arith.index_cast %scan3A_418 : i32 to index
        %get3A_426 = arith.constant 0 : index
        %get3A_427 = tpu.vector_load %arg11[%get3A_425, %get3A_426] {strides = array<i32>} : memref<100x64xf32, #tpu.memory_space<vmem>>, vector<1x16xf32>,
        %get3A_428 = vector.shape_cast %get3A_427 : vector<1x16xf32> to vector<16xf32>
        %add3A_429 = arith.addf %get3A_424, %get3A_428 : vector<16xf32>
        %add3A_430 = arith.addf %add3A_429, %get3A_289 : vector<16xf32>
        %swap3A = arith.constant 0 : i32
        %swap3A_431 = arith.index_cast %swap3A : i32 to index
        %swap3A_432 = arith.index_cast %scan3A_418 : i32 to index
        %swap3A_433 = arith.constant 0 : index
        %swap3A_434 = tpu.vector_load %arg13[%swap3A_431, %swap3A_432, %swap3A_433] {strides = array<i32>} : memref<2x100x64xf32, #tpu.memory_space<vmem>>, vector<1x1x16xf32>,
        %swap3A_435 = vector.shape_cast %swap3A_434 : vector<1x1x16xf32> to vector<16xf32>
        %swap3A_436 = vector.shape_cast %add3A_430 : vector<16xf32> to vector<1x1x16xf32>
        tpu.vector_store %arg13[%swap3A_431, %swap3A_432, %swap3A_433], %swap3A_436 {strides = array<i32>} : memref<2x100x64xf32, #tpu.memory_space<vmem>>, vector<1x1x16xf32>,
        %get3A_437 = arith.constant 2 : i32
        %get3A_438 = arith.index_cast %get3A_437 : i32 to index
        %get3A_439 = arith.index_cast %scan3A_418 : i32 to index
        %get3A_440 = arith.constant 16 : index
        %get3A_441 = tpu.vector_load %arg12[%get3A_438, %get3A_439, %get3A_440] {strides = array<i32>} : memref<4x100x128xf32, #tpu.memory_space<vmem>>, vector<1x1x16xf32>,
        %get3A_442 = vector.shape_cast %get3A_441 : vector<1x1x16xf32> to vector<16xf32>
        %get3A_443 = arith.index_cast %scan3A_418 : i32 to index
        %get3A_444 = arith.constant 16 : index
        %get3A_445 = tpu.vector_load %arg11[%get3A_443, %get3A_444] {strides = array<i32>} : memref<100x64xf32, #tpu.memory_space<vmem>>, vector<1x16xf32>,
        %get3A_446 = vector.shape_cast %get3A_445 : vector<1x16xf32> to vector<16xf32>
        %add3A_447 = arith.addf %get3A_442, %get3A_446 : vector<16xf32>
        %add3A_448 = arith.addf %add3A_447, %get3A_293 : vector<16xf32>
        %swap3A_449 = arith.constant 0 : i32
        %swap3A_450 = arith.index_cast %swap3A_449 : i32 to index
        %swap3A_451 = arith.index_cast %scan3A_418 : i32 to index
        %swap3A_452 = arith.constant 16 : index
        %swap3A_453 = tpu.vector_load %arg13[%swap3A_450, %swap3A_451, %swap3A_452] {strides = array<i32>} : memref<2x100x64xf32, #tpu.memory_space<vmem>>, vector<1x1x16xf32>,
        %swap3A_454 = vector.shape_cast %swap3A_453 : vector<1x1x16xf32> to vector<16xf32>
        %swap3A_455 = vector.shape_cast %add3A_448 : vector<16xf32> to vector<1x1x16xf32>
        tpu.vector_store %arg13[%swap3A_450, %swap3A_451, %swap3A_452], %swap3A_455 {strides = array<i32>} : memref<2x100x64xf32, #tpu.memory_space<vmem>>, vector<1x1x16xf32>,
        %get3A_456 = arith.constant 2 : i32
        %get3A_457 = arith.index_cast %get3A_456 : i32 to index
        %get3A_458 = arith.index_cast %scan3A_418 : i32 to index
        %get3A_459 = arith.constant 32 : index
        %get3A_460 = tpu.vector_load %arg12[%get3A_457, %get3A_458, %get3A_459] {strides = array<i32>} : memref<4x100x128xf32, #tpu.memory_space<vmem>>, vector<1x1x16xf32>,
        %get3A_461 = vector.shape_cast %get3A_460 : vector<1x1x16xf32> to vector<16xf32>
        %get3A_462 = arith.index_cast %scan3A_418 : i32 to index
        %get3A_463 = arith.constant 32 : index
        %get3A_464 = tpu.vector_load %arg11[%get3A_462, %get3A_463] {strides = array<i32>} : memref<100x64xf32, #tpu.memory_space<vmem>>, vector<1x16xf32>,
        %get3A_465 = vector.shape_cast %get3A_464 : vector<1x16xf32> to vector<16xf32>
        %add3A_466 = arith.addf %get3A_461, %get3A_465 : vector<16xf32>
        %add3A_467 = arith.addf %add3A_466, %get3A_297 : vector<16xf32>
        %swap3A_468 = arith.constant 0 : i32
        %swap3A_469 = arith.index_cast %swap3A_468 : i32 to index
        %swap3A_470 = arith.index_cast %scan3A_418 : i32 to index
        %swap3A_471 = arith.constant 32 : index
        %swap3A_472 = tpu.vector_load %arg13[%swap3A_469, %swap3A_470, %swap3A_471] {strides = array<i32>} : memref<2x100x64xf32, #tpu.memory_space<vmem>>, vector<1x1x16xf32>,
        %swap3A_473 = vector.shape_cast %swap3A_472 : vector<1x1x16xf32> to vector<16xf32>
        %swap3A_474 = vector.shape_cast %add3A_467 : vector<16xf32> to vector<1x1x16xf32>
        tpu.vector_store %arg13[%swap3A_469, %swap3A_470, %swap3A_471], %swap3A_474 {strides = array<i32>} : memref<2x100x64xf32, #tpu.memory_space<vmem>>, vector<1x1x16xf32>,
        %get3A_475 = arith.constant 2 : i32
        %get3A_476 = arith.index_cast %get3A_475 : i32 to index
        %get3A_477 = arith.index_cast %scan3A_418 : i32 to index
        %get3A_478 = arith.constant 48 : index
        %get3A_479 = tpu.vector_load %arg12[%get3A_476, %get3A_477, %get3A_478] {strides = array<i32>} : memref<4x100x128xf32, #tpu.memory_space<vmem>>, vector<1x1x16xf32>,
        %get3A_480 = vector.shape_cast %get3A_479 : vector<1x1x16xf32> to vector<16xf32>
        %get3A_481 = arith.index_cast %scan3A_418 : i32 to index
        %get3A_482 = arith.constant 48 : index
        %get3A_483 = tpu.vector_load %arg11[%get3A_481, %get3A_482] {strides = array<i32>} : memref<100x64xf32, #tpu.memory_space<vmem>>, vector<1x16xf32>,
        %get3A_484 = vector.shape_cast %get3A_483 : vector<1x16xf32> to vector<16xf32>
        %add3A_485 = arith.addf %get3A_480, %get3A_484 : vector<16xf32>
        %add3A_486 = arith.addf %add3A_485, %get3A_301 : vector<16xf32>
        %swap3A_487 = arith.constant 0 : i32
        %swap3A_488 = arith.index_cast %swap3A_487 : i32 to index
        %swap3A_489 = arith.index_cast %scan3A_418 : i32 to index
        %swap3A_490 = arith.constant 48 : index
        %swap3A_491 = tpu.vector_load %arg13[%swap3A_488, %swap3A_489, %swap3A_490] {strides = array<i32>} : memref<2x100x64xf32, #tpu.memory_space<vmem>>, vector<1x1x16xf32>,
        %swap3A_492 = vector.shape_cast %swap3A_491 : vector<1x1x16xf32> to vector<16xf32>
        %swap3A_493 = vector.shape_cast %add3A_486 : vector<16xf32> to vector<1x1x16xf32>
        tpu.vector_store %arg13[%swap3A_488, %swap3A_489, %swap3A_490], %swap3A_493 {strides = array<i32>} : memref<2x100x64xf32, #tpu.memory_space<vmem>>, vector<1x1x16xf32>,
      }
      %scan3A_306 = arith.constant 100 : i32
      %add3A_307 = arith.addi %mul3A_2, %add3A_251 : i32
      %dma_start3A_308 = arith.constant 0 : i32
      %dma_start3A_309 = arith.constant 0 : i32
      %dma_start3A_310 = arith.constant 0 : i32
      %dma_start3A_311 = arith.constant 0 : i32
      %dma_start3A_312 = tpu.memref_slice %arg13[%dma_start3A_308, %dma_start3A_310, %dma_start3A_311] : memref<2x100x64xf32, #tpu.memory_space<vmem>> -> memref<1x100x64xf32, #tpu.memory_space<vmem>>
      %dma_start3A_313 = tpu.memref_squeeze %dma_start3A_312 : memref<1x100x64xf32, #tpu.memory_space<vmem>> -> memref<100x64xf32, #tpu.memory_space<vmem>>
      %dma_start3A_314 = arith.constant 0 : i32
      %dma_start3A_315 = arith.constant 0 : i32
      %dma_start3A_316 = tpu.memref_slice %arg7[%add3A_307, %dma_start3A_314, %dma_start3A_315] : memref<4096x100x64xf32, #tpu.memory_space<hbm>> -> memref<1x100x64xf32, #tpu.memory_space<hbm>>
      %dma_start3A_317 = tpu.memref_squeeze %dma_start3A_316 : memref<1x100x64xf32, #tpu.memory_space<hbm>> -> memref<100x64xf32, #tpu.memory_space<hbm>>
      %dma_start3A_318 = tpu.memref_slice %arg15[%dma_start3A_309] : memref<2x!tpu.dma_semaphore, #tpu.memory_space<semaphore_mem>> -> memref<1x!tpu.dma_semaphore, #tpu.memory_space<semaphore_mem>>
      %dma_start3A_319 = tpu.memref_squeeze %dma_start3A_318 : memref<1x!tpu.dma_semaphore, #tpu.memory_space<semaphore_mem>> -> memref<!tpu.dma_semaphore, #tpu.memory_space<semaphore_mem>>
      %dma_start3A_320 = arith.constant 0 : i32
      %dma_start3A_321 = arith.constant 0 : i32
      %dma_start3A_322 = tpu.memref_slice %arg7[%add3A_307, %dma_start3A_320, %dma_start3A_321] : memref<4096x100x64xf32, #tpu.memory_space<hbm>> -> memref<1x100x64xf32, #tpu.memory_space<hbm>>
      %dma_start3A_323 = tpu.memref_squeeze %dma_start3A_322 : memref<1x100x64xf32, #tpu.memory_space<hbm>> -> memref<100x64xf32, #tpu.memory_space<hbm>>
      %dma_start3A_324 = arith.constant 0 : i32
      %dma_start3A_325 = arith.constant 0 : i32
      %dma_start3A_326 = tpu.memref_slice %arg13[%dma_start3A_308, %dma_start3A_324, %dma_start3A_325] : memref<2x100x64xf32, #tpu.memory_space<vmem>> -> memref<1x100x64xf32, #tpu.memory_space<vmem>>
      %dma_start3A_327 = tpu.memref_squeeze %dma_start3A_326 : memref<1x100x64xf32, #tpu.memory_space<vmem>> -> memref<100x64xf32, #tpu.memory_space<vmem>>
      tpu.enqueue_dma source(%dma_start3A_327 : memref<100x64xf32, #tpu.memory_space<vmem>>) target(%dma_start3A_323 : memref<100x64xf32, #tpu.memory_space<hbm>>) target_semaphore(%dma_start3A_319 : memref<!tpu.dma_semaphore, #tpu.memory_space<semaphore_mem>>)
      %lt3A_328 = arith.constant 31 : i32
      %lt3A_329 = arith.cmpi slt, %scan3A_112, %lt3A_328 : i32
      %convert_element_type3A_330 = arith.extui %lt3A_329 : i1 to i32
      %cond3A_331 = arith.constant 0 : i32
      %cond3A_332 = arith.cmpi ne, %convert_element_type3A_330, %cond3A_331 : i32
      scf.if %cond3A_332 {
        %add3A_418 = arith.constant 4 : i32
        %add3A_419 = arith.addi %add3A_251, %add3A_418 : i32
        %dma_start3A_420 = arith.constant 2 : i32
        %dma_start3A_421 = arith.constant 2 : i32
        %dma_start3A_422 = arith.constant 0 : i32
        %dma_start3A_423 = arith.constant 0 : i32
        %dma_start3A_424 = tpu.memref_slice %arg12[%dma_start3A_420, %dma_start3A_422, %dma_start3A_423] : memref<4x100x128xf32, #tpu.memory_space<vmem>> -> memref<1x100x128xf32, #tpu.memory_space<vmem>>
        %dma_start3A_425 = tpu.memref_squeeze %dma_start3A_424 : memref<1x100x128xf32, #tpu.memory_space<vmem>> -> memref<100x128xf32, #tpu.memory_space<vmem>>
        %dma_start3A_426 = arith.constant 0 : i32
        %dma_start3A_427 = tpu.memref_slice %arg8[%add3A_419, %dma_start3A_426] : memref<128x100xi32, #tpu.memory_space<vmem>> -> memref<1x100xi32, #tpu.memory_space<vmem>>
        %dma_start3A_428 = tpu.memref_squeeze %dma_start3A_427 : memref<1x100xi32, #tpu.memory_space<vmem>> -> memref<100xi32, #tpu.memory_space<vmem>>
        %dma_start3A_429 = arith.constant 0 : i32
        %dma_start3A_430 = arith.constant 0 : i32
        %dma_start3A_431 = tpu.memref_slice %arg4[%dma_start3A_429, %dma_start3A_430] : memref<100000x128xf32, #tpu.memory_space<hbm>> -> memref<100000x128xf32, #tpu.memory_space<hbm>>
        %dma_start3A_432 = tpu.memref_slice %arg14[%dma_start3A_421] : memref<4x!tpu.dma_semaphore, #tpu.memory_space<semaphore_mem>> -> memref<1x!tpu.dma_semaphore, #tpu.memory_space<semaphore_mem>>
        %dma_start3A_433 = tpu.memref_squeeze %dma_start3A_432 : memref<1x!tpu.dma_semaphore, #tpu.memory_space<semaphore_mem>> -> memref<!tpu.dma_semaphore, #tpu.memory_space<semaphore_mem>>
        tpu.enqueue_indirect_dma source(%dma_start3A_431 : memref<100000x128xf32, #tpu.memory_space<hbm>>) target(%dma_start3A_425 : memref<100x128xf32, #tpu.memory_space<vmem>>) offsets(%dma_start3A_428 : memref<100xi32, #tpu.memory_space<vmem>>) semaphore(%dma_start3A_433 : memref<!tpu.dma_semaphore, #tpu.memory_space<semaphore_mem>>)
      } else {
      }
      %mul3A_333 = arith.constant 4 : i32
      %mul3A_334 = arith.muli %scan3A_112, %mul3A_333 : i32
      %add3A_335 = arith.constant 3 : i32
      %add3A_336 = arith.addi %mul3A_334, %add3A_335 : i32
      %dma_wait3A_337 = arith.constant 3 : i32
      %dma_wait3A_338 = arith.constant 3 : i32
      %dma_wait3A_339 = arith.constant 0 : i32
      %dma_wait3A_340 = arith.constant 0 : i32
      %dma_wait3A_341 = tpu.memref_slice %arg12[%dma_wait3A_337, %dma_wait3A_339, %dma_wait3A_340] : memref<4x100x128xf32, #tpu.memory_space<vmem>> -> memref<1x100x128xf32, #tpu.memory_space<vmem>>
      %dma_wait3A_342 = tpu.memref_squeeze %dma_wait3A_341 : memref<1x100x128xf32, #tpu.memory_space<vmem>> -> memref<100x128xf32, #tpu.memory_space<vmem>>
      %dma_wait3A_343 = arith.constant 0 : i32
      %dma_wait3A_344 = tpu.memref_slice %arg8[%add3A_336, %dma_wait3A_343] : memref<128x100xi32, #tpu.memory_space<vmem>> -> memref<1x100xi32, #tpu.memory_space<vmem>>
      %dma_wait3A_345 = tpu.memref_squeeze %dma_wait3A_344 : memref<1x100xi32, #tpu.memory_space<vmem>> -> memref<100xi32, #tpu.memory_space<vmem>>
      %dma_wait3A_346 = arith.constant 0 : i32
      %dma_wait3A_347 = arith.constant 0 : i32
      %dma_wait3A_348 = tpu.memref_slice %arg4[%dma_wait3A_346, %dma_wait3A_347] : memref<100000x128xf32, #tpu.memory_space<hbm>> -> memref<100000x128xf32, #tpu.memory_space<hbm>>
      %dma_wait3A_349 = tpu.memref_slice %arg14[%dma_wait3A_338] : memref<4x!tpu.dma_semaphore, #tpu.memory_space<semaphore_mem>> -> memref<1x!tpu.dma_semaphore, #tpu.memory_space<semaphore_mem>>
      %dma_wait3A_350 = tpu.memref_squeeze %dma_wait3A_349 : memref<1x!tpu.dma_semaphore, #tpu.memory_space<semaphore_mem>> -> memref<!tpu.dma_semaphore, #tpu.memory_space<semaphore_mem>>
      tpu.wait_indirect_dma semaphore(%dma_wait3A_350 : memref<!tpu.dma_semaphore, #tpu.memory_space<semaphore_mem>>) src(%dma_wait3A_348 : memref<100000x128xf32, #tpu.memory_space<hbm>>) dst(%dma_wait3A_342 : memref<100x128xf32, #tpu.memory_space<vmem>>)
      %dma_wait3A_351 = arith.constant 1 : i32
      %dma_wait3A_352 = arith.constant 1 : i32
      %dma_wait3A_353 = arith.constant 0 : i32
      %dma_wait3A_354 = arith.constant 0 : i32
      %dma_wait3A_355 = tpu.memref_slice %arg13[%dma_wait3A_351, %dma_wait3A_353, %dma_wait3A_354] : memref<2x100x64xf32, #tpu.memory_space<vmem>> -> memref<1x100x64xf32, #tpu.memory_space<vmem>>
      %dma_wait3A_356 = tpu.memref_squeeze %dma_wait3A_355 : memref<1x100x64xf32, #tpu.memory_space<vmem>> -> memref<100x64xf32, #tpu.memory_space<vmem>>
      %dma_wait3A_357 = arith.constant 0 : i32
      %dma_wait3A_358 = arith.constant 0 : i32
      %dma_wait3A_359 = tpu.memref_slice %arg7[%mul3A_2, %dma_wait3A_357, %dma_wait3A_358] : memref<4096x100x64xf32, #tpu.memory_space<hbm>> -> memref<1x100x64xf32, #tpu.memory_space<hbm>>
      %dma_wait3A_360 = tpu.memref_squeeze %dma_wait3A_359 : memref<1x100x64xf32, #tpu.memory_space<hbm>> -> memref<100x64xf32, #tpu.memory_space<hbm>>
      %dma_wait3A_361 = tpu.memref_slice %arg15[%dma_wait3A_352] : memref<2x!tpu.dma_semaphore, #tpu.memory_space<semaphore_mem>> -> memref<1x!tpu.dma_semaphore, #tpu.memory_space<semaphore_mem>>
      %dma_wait3A_362 = tpu.memref_squeeze %dma_wait3A_361 : memref<1x!tpu.dma_semaphore, #tpu.memory_space<semaphore_mem>> -> memref<!tpu.dma_semaphore, #tpu.memory_space<semaphore_mem>>
      %dma_wait3A_363 = arith.constant 0 : i32
      %dma_wait3A_364 = arith.constant 0 : i32
      %dma_wait3A_365 = tpu.memref_slice %arg7[%mul3A_2, %dma_wait3A_363, %dma_wait3A_364] : memref<4096x100x64xf32, #tpu.memory_space<hbm>> -> memref<1x100x64xf32, #tpu.memory_space<hbm>>
      %dma_wait3A_366 = tpu.memref_squeeze %dma_wait3A_365 : memref<1x100x64xf32, #tpu.memory_space<hbm>> -> memref<100x64xf32, #tpu.memory_space<hbm>>
      %dma_wait3A_367 = arith.constant 0 : i32
      %dma_wait3A_368 = arith.constant 0 : i32
      %dma_wait3A_369 = tpu.memref_slice %arg13[%dma_wait3A_351, %dma_wait3A_367, %dma_wait3A_368] : memref<2x100x64xf32, #tpu.memory_space<vmem>> -> memref<1x100x64xf32, #tpu.memory_space<vmem>>
      %dma_wait3A_370 = tpu.memref_squeeze %dma_wait3A_369 : memref<1x100x64xf32, #tpu.memory_space<vmem>> -> memref<100x64xf32, #tpu.memory_space<vmem>>
      tpu.wait_dma2 semaphore(%dma_wait3A_362 : memref<!tpu.dma_semaphore, #tpu.memory_space<semaphore_mem>>) src(%dma_wait3A_370 : memref<100x64xf32, #tpu.memory_space<vmem>>) dst(%dma_wait3A_366 : memref<100x64xf32, #tpu.memory_space<hbm>>)
      %get3A_371 = arith.index_cast %add3A_336 : i32 to index
      %get3A_372 = arith.constant 0 : index
      %get3A_373 = tpu.vector_load %arg10[%get3A_371, %get3A_372] {strides = array<i32>} : memref<128x128xf32, #tpu.memory_space<vmem>>, vector<1x16xf32>,
      %get3A_374 = vector.shape_cast %get3A_373 : vector<1x16xf32> to vector<16xf32>
      %get3A_375 = arith.index_cast %add3A_336 : i32 to index
      %get3A_376 = arith.constant 16 : index
      %get3A_377 = tpu.vector_load %arg10[%get3A_375, %get3A_376] {strides = array<i32>} : memref<128x128xf32, #tpu.memory_space<vmem>>, vector<1x16xf32>,
      %get3A_378 = vector.shape_cast %get3A_377 : vector<1x16xf32> to vector<16xf32>
      %get3A_379 = arith.index_cast %add3A_336 : i32 to index
      %get3A_380 = arith.constant 32 : index
      %get3A_381 = tpu.vector_load %arg10[%get3A_379, %get3A_380] {strides = array<i32>} : memref<128x128xf32, #tpu.memory_space<vmem>>, vector<1x16xf32>,
      %get3A_382 = vector.shape_cast %get3A_381 : vector<1x16xf32> to vector<16xf32>
      %get3A_383 = arith.index_cast %add3A_336 : i32 to index
      %get3A_384 = arith.constant 48 : index
      %get3A_385 = tpu.vector_load %arg10[%get3A_383, %get3A_384] {strides = array<i32>} : memref<128x128xf32, #tpu.memory_space<vmem>>, vector<1x16xf32>,
      %get3A_386 = vector.shape_cast %get3A_385 : vector<1x16xf32> to vector<16xf32>
      %scan3A_387 = arith.constant 0 : i32
      %scan3A_388 = arith.constant 100 : i32
      %scan3A_389 = arith.addi %scan3A_387, %scan3A_388 : i32
      %scan3A_390 = arith.constant 1 : i32
      scf.for %scan3A_418 = %scan3A_387 to %scan3A_389 step %scan3A_390  : i32 {
        %get3A_419 = arith.constant 3 : i32
        %get3A_420 = arith.index_cast %get3A_419 : i32 to index
        %get3A_421 = arith.index_cast %scan3A_418 : i32 to index
        %get3A_422 = arith.constant 0 : index
        %get3A_423 = tpu.vector_load %arg12[%get3A_420, %get3A_421, %get3A_422] {strides = array<i32>} : memref<4x100x128xf32, #tpu.memory_space<vmem>>, vector<1x1x16xf32>,
        %get3A_424 = vector.shape_cast %get3A_423 : vector<1x1x16xf32> to vector<16xf32>
        %get3A_425 = arith.index_cast %scan3A_418 : i32 to index
        %get3A_426 = arith.constant 0 : index
        %get3A_427 = tpu.vector_load %arg11[%get3A_425, %get3A_426] {strides = array<i32>} : memref<100x64xf32, #tpu.memory_space<vmem>>, vector<1x16xf32>,
        %get3A_428 = vector.shape_cast %get3A_427 : vector<1x16xf32> to vector<16xf32>
        %add3A_429 = arith.addf %get3A_424, %get3A_428 : vector<16xf32>
        %add3A_430 = arith.addf %add3A_429, %get3A_374 : vector<16xf32>
        %swap3A = arith.constant 1 : i32
        %swap3A_431 = arith.index_cast %swap3A : i32 to index
        %swap3A_432 = arith.index_cast %scan3A_418 : i32 to index
        %swap3A_433 = arith.constant 0 : index
        %swap3A_434 = tpu.vector_load %arg13[%swap3A_431, %swap3A_432, %swap3A_433] {strides = array<i32>} : memref<2x100x64xf32, #tpu.memory_space<vmem>>, vector<1x1x16xf32>,
        %swap3A_435 = vector.shape_cast %swap3A_434 : vector<1x1x16xf32> to vector<16xf32>
        %swap3A_436 = vector.shape_cast %add3A_430 : vector<16xf32> to vector<1x1x16xf32>
        tpu.vector_store %arg13[%swap3A_431, %swap3A_432, %swap3A_433], %swap3A_436 {strides = array<i32>} : memref<2x100x64xf32, #tpu.memory_space<vmem>>, vector<1x1x16xf32>,
        %get3A_437 = arith.constant 3 : i32
        %get3A_438 = arith.index_cast %get3A_437 : i32 to index
        %get3A_439 = arith.index_cast %scan3A_418 : i32 to index
        %get3A_440 = arith.constant 16 : index
        %get3A_441 = tpu.vector_load %arg12[%get3A_438, %get3A_439, %get3A_440] {strides = array<i32>} : memref<4x100x128xf32, #tpu.memory_space<vmem>>, vector<1x1x16xf32>,
        %get3A_442 = vector.shape_cast %get3A_441 : vector<1x1x16xf32> to vector<16xf32>
        %get3A_443 = arith.index_cast %scan3A_418 : i32 to index
        %get3A_444 = arith.constant 16 : index
        %get3A_445 = tpu.vector_load %arg11[%get3A_443, %get3A_444] {strides = array<i32>} : memref<100x64xf32, #tpu.memory_space<vmem>>, vector<1x16xf32>,
        %get3A_446 = vector.shape_cast %get3A_445 : vector<1x16xf32> to vector<16xf32>
        %add3A_447 = arith.addf %get3A_442, %get3A_446 : vector<16xf32>
        %add3A_448 = arith.addf %add3A_447, %get3A_378 : vector<16xf32>
        %swap3A_449 = arith.constant 1 : i32
        %swap3A_450 = arith.index_cast %swap3A_449 : i32 to index
        %swap3A_451 = arith.index_cast %scan3A_418 : i32 to index
        %swap3A_452 = arith.constant 16 : index
        %swap3A_453 = tpu.vector_load %arg13[%swap3A_450, %swap3A_451, %swap3A_452] {strides = array<i32>} : memref<2x100x64xf32, #tpu.memory_space<vmem>>, vector<1x1x16xf32>,
        %swap3A_454 = vector.shape_cast %swap3A_453 : vector<1x1x16xf32> to vector<16xf32>
        %swap3A_455 = vector.shape_cast %add3A_448 : vector<16xf32> to vector<1x1x16xf32>
        tpu.vector_store %arg13[%swap3A_450, %swap3A_451, %swap3A_452], %swap3A_455 {strides = array<i32>} : memref<2x100x64xf32, #tpu.memory_space<vmem>>, vector<1x1x16xf32>,
        %get3A_456 = arith.constant 3 : i32
        %get3A_457 = arith.index_cast %get3A_456 : i32 to index
        %get3A_458 = arith.index_cast %scan3A_418 : i32 to index
        %get3A_459 = arith.constant 32 : index
        %get3A_460 = tpu.vector_load %arg12[%get3A_457, %get3A_458, %get3A_459] {strides = array<i32>} : memref<4x100x128xf32, #tpu.memory_space<vmem>>, vector<1x1x16xf32>,
        %get3A_461 = vector.shape_cast %get3A_460 : vector<1x1x16xf32> to vector<16xf32>
        %get3A_462 = arith.index_cast %scan3A_418 : i32 to index
        %get3A_463 = arith.constant 32 : index
        %get3A_464 = tpu.vector_load %arg11[%get3A_462, %get3A_463] {strides = array<i32>} : memref<100x64xf32, #tpu.memory_space<vmem>>, vector<1x16xf32>,
        %get3A_465 = vector.shape_cast %get3A_464 : vector<1x16xf32> to vector<16xf32>
        %add3A_466 = arith.addf %get3A_461, %get3A_465 : vector<16xf32>
        %add3A_467 = arith.addf %add3A_466, %get3A_382 : vector<16xf32>
        %swap3A_468 = arith.constant 1 : i32
        %swap3A_469 = arith.index_cast %swap3A_468 : i32 to index
        %swap3A_470 = arith.index_cast %scan3A_418 : i32 to index
        %swap3A_471 = arith.constant 32 : index
        %swap3A_472 = tpu.vector_load %arg13[%swap3A_469, %swap3A_470, %swap3A_471] {strides = array<i32>} : memref<2x100x64xf32, #tpu.memory_space<vmem>>, vector<1x1x16xf32>,
        %swap3A_473 = vector.shape_cast %swap3A_472 : vector<1x1x16xf32> to vector<16xf32>
        %swap3A_474 = vector.shape_cast %add3A_467 : vector<16xf32> to vector<1x1x16xf32>
        tpu.vector_store %arg13[%swap3A_469, %swap3A_470, %swap3A_471], %swap3A_474 {strides = array<i32>} : memref<2x100x64xf32, #tpu.memory_space<vmem>>, vector<1x1x16xf32>,
        %get3A_475 = arith.constant 3 : i32
        %get3A_476 = arith.index_cast %get3A_475 : i32 to index
        %get3A_477 = arith.index_cast %scan3A_418 : i32 to index
        %get3A_478 = arith.constant 48 : index
        %get3A_479 = tpu.vector_load %arg12[%get3A_476, %get3A_477, %get3A_478] {strides = array<i32>} : memref<4x100x128xf32, #tpu.memory_space<vmem>>, vector<1x1x16xf32>,
        %get3A_480 = vector.shape_cast %get3A_479 : vector<1x1x16xf32> to vector<16xf32>
        %get3A_481 = arith.index_cast %scan3A_418 : i32 to index
        %get3A_482 = arith.constant 48 : index
        %get3A_483 = tpu.vector_load %arg11[%get3A_481, %get3A_482] {strides = array<i32>} : memref<100x64xf32, #tpu.memory_space<vmem>>, vector<1x16xf32>,
        %get3A_484 = vector.shape_cast %get3A_483 : vector<1x16xf32> to vector<16xf32>
        %add3A_485 = arith.addf %get3A_480, %get3A_484 : vector<16xf32>
        %add3A_486 = arith.addf %add3A_485, %get3A_386 : vector<16xf32>
        %swap3A_487 = arith.constant 1 : i32
        %swap3A_488 = arith.index_cast %swap3A_487 : i32 to index
        %swap3A_489 = arith.index_cast %scan3A_418 : i32 to index
        %swap3A_490 = arith.constant 48 : index
        %swap3A_491 = tpu.vector_load %arg13[%swap3A_488, %swap3A_489, %swap3A_490] {strides = array<i32>} : memref<2x100x64xf32, #tpu.memory_space<vmem>>, vector<1x1x16xf32>,
        %swap3A_492 = vector.shape_cast %swap3A_491 : vector<1x1x16xf32> to vector<16xf32>
        %swap3A_493 = vector.shape_cast %add3A_486 : vector<16xf32> to vector<1x1x16xf32>
        tpu.vector_store %arg13[%swap3A_488, %swap3A_489, %swap3A_490], %swap3A_493 {strides = array<i32>} : memref<2x100x64xf32, #tpu.memory_space<vmem>>, vector<1x1x16xf32>,
      }
      %scan3A_391 = arith.constant 100 : i32
      %add3A_392 = arith.addi %mul3A_2, %add3A_336 : i32
      %dma_start3A_393 = arith.constant 1 : i32
      %dma_start3A_394 = arith.constant 1 : i32
      %dma_start3A_395 = arith.constant 0 : i32
      %dma_start3A_396 = arith.constant 0 : i32
      %dma_start3A_397 = tpu.memref_slice %arg13[%dma_start3A_393, %dma_start3A_395, %dma_start3A_396] : memref<2x100x64xf32, #tpu.memory_space<vmem>> -> memref<1x100x64xf32, #tpu.memory_space<vmem>>
      %dma_start3A_398 = tpu.memref_squeeze %dma_start3A_397 : memref<1x100x64xf32, #tpu.memory_space<vmem>> -> memref<100x64xf32, #tpu.memory_space<vmem>>
      %dma_start3A_399 = arith.constant 0 : i32
      %dma_start3A_400 = arith.constant 0 : i32
      %dma_start3A_401 = tpu.memref_slice %arg7[%add3A_392, %dma_start3A_399, %dma_start3A_400] : memref<4096x100x64xf32, #tpu.memory_space<hbm>> -> memref<1x100x64xf32, #tpu.memory_space<hbm>>
      %dma_start3A_402 = tpu.memref_squeeze %dma_start3A_401 : memref<1x100x64xf32, #tpu.memory_space<hbm>> -> memref<100x64xf32, #tpu.memory_space<hbm>>
      %dma_start3A_403 = tpu.memref_slice %arg15[%dma_start3A_394] : memref<2x!tpu.dma_semaphore, #tpu.memory_space<semaphore_mem>> -> memref<1x!tpu.dma_semaphore, #tpu.memory_space<semaphore_mem>>
      %dma_start3A_404 = tpu.memref_squeeze %dma_start3A_403 : memref<1x!tpu.dma_semaphore, #tpu.memory_space<semaphore_mem>> -> memref<!tpu.dma_semaphore, #tpu.memory_space<semaphore_mem>>
      %dma_start3A_405 = arith.constant 0 : i32
      %dma_start3A_406 = arith.constant 0 : i32
      %dma_start3A_407 = tpu.memref_slice %arg7[%add3A_392, %dma_start3A_405, %dma_start3A_406] : memref<4096x100x64xf32, #tpu.memory_space<hbm>> -> memref<1x100x64xf32, #tpu.memory_space<hbm>>
      %dma_start3A_408 = tpu.memref_squeeze %dma_start3A_407 : memref<1x100x64xf32, #tpu.memory_space<hbm>> -> memref<100x64xf32, #tpu.memory_space<hbm>>
      %dma_start3A_409 = arith.constant 0 : i32
      %dma_start3A_410 = arith.constant 0 : i32
      %dma_start3A_411 = tpu.memref_slice %arg13[%dma_start3A_393, %dma_start3A_409, %dma_start3A_410] : memref<2x100x64xf32, #tpu.memory_space<vmem>> -> memref<1x100x64xf32, #tpu.memory_space<vmem>>
      %dma_start3A_412 = tpu.memref_squeeze %dma_start3A_411 : memref<1x100x64xf32, #tpu.memory_space<vmem>> -> memref<100x64xf32, #tpu.memory_space<vmem>>
      tpu.enqueue_dma source(%dma_start3A_412 : memref<100x64xf32, #tpu.memory_space<vmem>>) target(%dma_start3A_408 : memref<100x64xf32, #tpu.memory_space<hbm>>) target_semaphore(%dma_start3A_404 : memref<!tpu.dma_semaphore, #tpu.memory_space<semaphore_mem>>)
      %lt3A_413 = arith.constant 31 : i32
      %lt3A_414 = arith.cmpi slt, %scan3A_112, %lt3A_413 : i32
      %convert_element_type3A_415 = arith.extui %lt3A_414 : i1 to i32
      %cond3A_416 = arith.constant 0 : i32
      %cond3A_417 = arith.cmpi ne, %convert_element_type3A_415, %cond3A_416 : i32
      scf.if %cond3A_417 {
        %add3A_418 = arith.constant 4 : i32
        %add3A_419 = arith.addi %add3A_336, %add3A_418 : i32
        %dma_start3A_420 = arith.constant 3 : i32
        %dma_start3A_421 = arith.constant 3 : i32
        %dma_start3A_422 = arith.constant 0 : i32
        %dma_start3A_423 = arith.constant 0 : i32
        %dma_start3A_424 = tpu.memref_slice %arg12[%dma_start3A_420, %dma_start3A_422, %dma_start3A_423] : memref<4x100x128xf32, #tpu.memory_space<vmem>> -> memref<1x100x128xf32, #tpu.memory_space<vmem>>
        %dma_start3A_425 = tpu.memref_squeeze %dma_start3A_424 : memref<1x100x128xf32, #tpu.memory_space<vmem>> -> memref<100x128xf32, #tpu.memory_space<vmem>>
        %dma_start3A_426 = arith.constant 0 : i32
        %dma_start3A_427 = tpu.memref_slice %arg8[%add3A_419, %dma_start3A_426] : memref<128x100xi32, #tpu.memory_space<vmem>> -> memref<1x100xi32, #tpu.memory_space<vmem>>
        %dma_start3A_428 = tpu.memref_squeeze %dma_start3A_427 : memref<1x100xi32, #tpu.memory_space<vmem>> -> memref<100xi32, #tpu.memory_space<vmem>>
        %dma_start3A_429 = arith.constant 0 : i32
        %dma_start3A_430 = arith.constant 0 : i32
        %dma_start3A_431 = tpu.memref_slice %arg4[%dma_start3A_429, %dma_start3A_430] : memref<100000x128xf32, #tpu.memory_space<hbm>> -> memref<100000x128xf32, #tpu.memory_space<hbm>>
        %dma_start3A_432 = tpu.memref_slice %arg14[%dma_start3A_421] : memref<4x!tpu.dma_semaphore, #tpu.memory_space<semaphore_mem>> -> memref<1x!tpu.dma_semaphore, #tpu.memory_space<semaphore_mem>>
        %dma_start3A_433 = tpu.memref_squeeze %dma_start3A_432 : memref<1x!tpu.dma_semaphore, #tpu.memory_space<semaphore_mem>> -> memref<!tpu.dma_semaphore, #tpu.memory_space<semaphore_mem>>
        tpu.enqueue_indirect_dma source(%dma_start3A_431 : memref<100000x128xf32, #tpu.memory_space<hbm>>) target(%dma_start3A_425 : memref<100x128xf32, #tpu.memory_space<vmem>>) offsets(%dma_start3A_428 : memref<100xi32, #tpu.memory_space<vmem>>) semaphore(%dma_start3A_433 : memref<!tpu.dma_semaphore, #tpu.memory_space<semaphore_mem>>)
      } else {
      }
    }
    %scan3A_71 = arith.constant 32 : i32
    %dma_wait3A_72 = arith.constant 0 : i32
    %dma_wait3A_73 = arith.constant 0 : i32
    %dma_wait3A_74 = arith.constant 0 : i32
    %dma_wait3A_75 = arith.constant 0 : i32
    %dma_wait3A_76 = tpu.memref_slice %arg13[%dma_wait3A_72, %dma_wait3A_74, %dma_wait3A_75] : memref<2x100x64xf32, #tpu.memory_space<vmem>> -> memref<1x100x64xf32, #tpu.memory_space<vmem>>
    %dma_wait3A_77 = tpu.memref_squeeze %dma_wait3A_76 : memref<1x100x64xf32, #tpu.memory_space<vmem>> -> memref<100x64xf32, #tpu.memory_space<vmem>>
    %dma_wait3A_78 = arith.constant 0 : i32
    %dma_wait3A_79 = arith.constant 0 : i32
    %dma_wait3A_80 = tpu.memref_slice %arg7[%mul3A_2, %dma_wait3A_78, %dma_wait3A_79] : memref<4096x100x64xf32, #tpu.memory_space<hbm>> -> memref<1x100x64xf32, #tpu.memory_space<hbm>>
    %dma_wait3A_81 = tpu.memref_squeeze %dma_wait3A_80 : memref<1x100x64xf32, #tpu.memory_space<hbm>> -> memref<100x64xf32, #tpu.memory_space<hbm>>
    %dma_wait3A_82 = tpu.memref_slice %arg15[%dma_wait3A_73] : memref<2x!tpu.dma_semaphore, #tpu.memory_space<semaphore_mem>> -> memref<1x!tpu.dma_semaphore, #tpu.memory_space<semaphore_mem>>
    %dma_wait3A_83 = tpu.memref_squeeze %dma_wait3A_82 : memref<1x!tpu.dma_semaphore, #tpu.memory_space<semaphore_mem>> -> memref<!tpu.dma_semaphore, #tpu.memory_space<semaphore_mem>>
    %dma_wait3A_84 = arith.constant 0 : i32
    %dma_wait3A_85 = arith.constant 0 : i32
    %dma_wait3A_86 = tpu.memref_slice %arg7[%mul3A_2, %dma_wait3A_84, %dma_wait3A_85] : memref<4096x100x64xf32, #tpu.memory_space<hbm>> -> memref<1x100x64xf32, #tpu.memory_space<hbm>>
    %dma_wait3A_87 = tpu.memref_squeeze %dma_wait3A_86 : memref<1x100x64xf32, #tpu.memory_space<hbm>> -> memref<100x64xf32, #tpu.memory_space<hbm>>
    %dma_wait3A_88 = arith.constant 0 : i32
    %dma_wait3A_89 = arith.constant 0 : i32
    %dma_wait3A_90 = tpu.memref_slice %arg13[%dma_wait3A_72, %dma_wait3A_88, %dma_wait3A_89] : memref<2x100x64xf32, #tpu.memory_space<vmem>> -> memref<1x100x64xf32, #tpu.memory_space<vmem>>
    %dma_wait3A_91 = tpu.memref_squeeze %dma_wait3A_90 : memref<1x100x64xf32, #tpu.memory_space<vmem>> -> memref<100x64xf32, #tpu.memory_space<vmem>>
    tpu.wait_dma2 semaphore(%dma_wait3A_83 : memref<!tpu.dma_semaphore, #tpu.memory_space<semaphore_mem>>) src(%dma_wait3A_91 : memref<100x64xf32, #tpu.memory_space<vmem>>) dst(%dma_wait3A_87 : memref<100x64xf32, #tpu.memory_space<hbm>>)
    %dma_wait3A_92 = arith.constant 1 : i32
    %dma_wait3A_93 = arith.constant 1 : i32
    %dma_wait3A_94 = arith.constant 0 : i32
    %dma_wait3A_95 = arith.constant 0 : i32
    %dma_wait3A_96 = tpu.memref_slice %arg13[%dma_wait3A_92, %dma_wait3A_94, %dma_wait3A_95] : memref<2x100x64xf32, #tpu.memory_space<vmem>> -> memref<1x100x64xf32, #tpu.memory_space<vmem>>
    %dma_wait3A_97 = tpu.memref_squeeze %dma_wait3A_96 : memref<1x100x64xf32, #tpu.memory_space<vmem>> -> memref<100x64xf32, #tpu.memory_space<vmem>>
    %dma_wait3A_98 = arith.constant 0 : i32
    %dma_wait3A_99 = arith.constant 0 : i32
    %dma_wait3A_100 = tpu.memref_slice %arg7[%mul3A_2, %dma_wait3A_98, %dma_wait3A_99] : memref<4096x100x64xf32, #tpu.memory_space<hbm>> -> memref<1x100x64xf32, #tpu.memory_space<hbm>>
    %dma_wait3A_101 = tpu.memref_squeeze %dma_wait3A_100 : memref<1x100x64xf32, #tpu.memory_space<hbm>> -> memref<100x64xf32, #tpu.memory_space<hbm>>
    %dma_wait3A_102 = tpu.memref_slice %arg15[%dma_wait3A_93] : memref<2x!tpu.dma_semaphore, #tpu.memory_space<semaphore_mem>> -> memref<1x!tpu.dma_semaphore, #tpu.memory_space<semaphore_mem>>
    %dma_wait3A_103 = tpu.memref_squeeze %dma_wait3A_102 : memref<1x!tpu.dma_semaphore, #tpu.memory_space<semaphore_mem>> -> memref<!tpu.dma_semaphore, #tpu.memory_space<semaphore_mem>>
    %dma_wait3A_104 = arith.constant 0 : i32
    %dma_wait3A_105 = arith.constant 0 : i32
    %dma_wait3A_106 = tpu.memref_slice %arg7[%mul3A_2, %dma_wait3A_104, %dma_wait3A_105] : memref<4096x100x64xf32, #tpu.memory_space<hbm>> -> memref<1x100x64xf32, #tpu.memory_space<hbm>>
    %dma_wait3A_107 = tpu.memref_squeeze %dma_wait3A_106 : memref<1x100x64xf32, #tpu.memory_space<hbm>> -> memref<100x64xf32, #tpu.memory_space<hbm>>
    %dma_wait3A_108 = arith.constant 0 : i32
    %dma_wait3A_109 = arith.constant 0 : i32
    %dma_wait3A_110 = tpu.memref_slice %arg13[%dma_wait3A_92, %dma_wait3A_108, %dma_wait3A_109] : memref<2x100x64xf32, #tpu.memory_space<vmem>> -> memref<1x100x64xf32, #tpu.memory_space<vmem>>
    %dma_wait3A_111 = tpu.memref_squeeze %dma_wait3A_110 : memref<1x100x64xf32, #tpu.memory_space<vmem>> -> memref<100x64xf32, #tpu.memory_space<vmem>>
    tpu.wait_dma2 semaphore(%dma_wait3A_103 : memref<!tpu.dma_semaphore, #tpu.memory_space<semaphore_mem>>) src(%dma_wait3A_111 : memref<100x64xf32, #tpu.memory_space<vmem>>) dst(%dma_wait3A_107 : memref<100x64xf32, #tpu.memory_space<hbm>>)
    return
  }
}

</mosaic_0001>

<sc_bundles>
// kernel: kernel.3.cloned.1.call-start
scs
__scs_entry_jumppad:
0x0: {  	(pc) =	sbr.rel $0x88, $3  }
0x1: {  	(tag) =	ssettag $0x0;
	lr =	simm.s32 $0x1  }
0x2: {  	[smem:$0x3F9C] =	sst lr;
	_ =	strace $0xD0000000  }
0x3: {  	_ = 	snop  }
0x4: {  	_ = 	snop  }
0x5: {  	_ = 	snop  }
0x6: {  	_ = 	snop  }
0x7: {  	_ = 	snop  }
__scs_overlays_trampoline_lowered:
0x8: {  	[smem:$0x3FAB] =	sst s0  }
0x9: {  	[smem:$0x3FAC] =	sst s1  }
0xa: {  	[smem:$0x3FAD] =	sst s2  }
0xb: {  	[smem:$0x3FAE] =	sst s3  }
0xc: {  	[smem:$0x3FAF] =	sst s4  }
0xd: {  	[smem:$0x3FB0] =	sst s5  }
0xe: {  	[smem:$0x3FB1] =	sst s6  }
0xf: {  	[smem:$0x3FB2] =	sst s7  }
0x10: {  	[smem:$0x3FB3] =	sst s8  }
0x11: {  	[smem:$0x3FB4] =	sst s9;
	s0 =	simm.s32 @!p0 $0x0  }
0x12: {  	s1 =	sld [smem:$0x3F9A];
	s0 =	simm.s32 @p0 $0x1  }
0x13: {  	[smem:$0x3FB5] =	sst s0;
	s0 =	simm.s32 @!p1 $0x0  }
0x14: {  	s2 =	sld [smem:$0x3F99];
	s0 =	simm.s32 @p1 $0x1  }
0x15: {  	[smem:$0x3FB6] =	sst s0;
	s0 =	simm.s32 @!p2 $0x0  }
0x16: {  	s3 =	sld [smem:$0x3FDB];
	s0 =	simm.s32 @p2 $0x1  }
0x17: {  	s4 =	simm.s32 $0x1BF5;
	[smem:$0x3FB8] =	sst s0  }
0x18: {  	s0 =	sld [smem:$0x3F9B];
	_ =	swait.ge [sflag:s4], $0x0  }
0x19: {  	s7 =	sld [smem:$0x3F9C]  }
0x1a: {  	s8 =	sadd.s32 $0xFFFFE003, lr  }
0x1b: {  	s9 =	sadd.s32 $0xFFFFFEF7, lr;
	s5 =	simm.s32 $0xFFFFFFFF;
	p2 =	slt.u32 s8, $0xFFFFF086  }
0x1c: {  	p1 =	slt.u32 s9, $0xF7A;
	s5 =	simm.s32 @!p2 $0x0  }
0x1d: {  	s5 =	simm.s32 @p1 $0x1;
	p0 =	seq.s32 s7, s2  }
0x1e: {  	s7 =	smul.u32 @!p0 $0xF7A, s2;
	p2 =	seq.s32 @!p0 s5, $0x0  }
0x1f: {  	s9 =	smul.u32 $0xF7A, s1;
	s8 =	simm.s32 @!p0 $0x1BF5;
	p2 =	por !p2, p0  }
0x20: {  	[sflag:s8] =	ssyncset.s32 @!p0 $0xFFFFF086;
	s6 =	sadd.s32 @!p0 s3, s7;
	s7 =	simm.s32 @!p0 $0x108  }
0x21: {  	s3 =	sadd.s32 s3, s9;
	s6 =	sadd.s32 @!p0 $0x88, s6;
	s7 =	simm.s32 @p2 $0x1082  }
0x22: {  	[simem:s7], [sflag:s8] =	dma.local @!p0 [hbm:s6], $0xF7A  }
0x23: {  	s9 =	sor.u32 $0xD0000000, s2;
	s6 =	simm.s32 $0x108;
	_ =	swait.ge @!p0 [sflag:s8], $0x0  }
0x24: {  	s3 =	sadd.s32 $0x88, s3;
	s6 =	simm.s32 @!p1 $0x1082;
	[sflag:s4] =	ssyncset.s32 $0xFFFFF086  }
0x25: {  	[simem:s6], [sflag:s4] =	dma.local [hbm:s3], $0xF7A  }
0x26: {  	[smem:$0x3F9C] =	sst s1;
	(tag) =	ssettag s2;
	_ =	strace s9  }
0x27: {  	s1 =	sld [smem:$0x3FAC]  }
0x28: {  	s2 =	sld [smem:$0x3FAD]  }
0x29: {  	s4 =	sld [smem:$0x3FAF]  }
0x2a: {  	p0 =	seq.s32 s5, $0x0;
	s5 =	sld [smem:$0x3FB0]  }
0x2b: {  	s6 =	sld [smem:$0x3FB1]  }
0x2c: {  	s7 =	sld [smem:$0x3FB2]  }
0x2d: {  	s3 =	simm.s32 $0x108;
	s8 =	sld [smem:$0x3FB3]  }
0x2e: {  	s3 =	simm.s32 @!p0 $0x1082;
	s9 =	sld [smem:$0x3FB4]  }
0x2f: {  	lr =	sadd.s32 s0, s3;
	s0 =	sld [smem:$0x3FAB]  }
0x30: {  	s3 =	sld [smem:$0x3FAE]  }
0x31: {  	[smem:$0x3FB7] =	sst s10  }
0x32: {  	s10 =	sld [smem:$0x3FB5];
	_ =	sdelay $0x3  }
0x33: {  	p0 =	seq.s32 s10, $0x1;
	s10 =	sld [smem:$0x3FB7];
	_ =	sdelay $0x3  }
0x34: {  	[smem:$0x3FB7] =	sst s10  }
0x35: {  	s10 =	sld [smem:$0x3FB6];
	_ =	sdelay $0x3  }
0x36: {  	p1 =	seq.s32 s10, $0x1;
	s10 =	sld [smem:$0x3FB7];
	_ =	sdelay $0x3  }
0x37: {  	[smem:$0x3FB7] =	sst s10  }
0x38: {  	s10 =	sld [smem:$0x3FB8]  }
0x39: {  	_ = 	snop;
	(pc) =	sbr.ind lr, $3  }
0x3a: {  	_ = 	snop  }
0x3b: {  	_ = 	snop  }
0x3c: {  	p2 =	seq.s32 s10, $0x1;
	s10 =	sld [smem:$0x3FB7]  }
0x3d: {  	_ =	shalt  }
0x3e: {  	_ =	shalt  }
0x3f: {  	_ =	shalt  }
0x40: {  	_ =	shalt  }
0x41: {  	_ =	shalt  }
0x42: {  	_ =	shalt  }
0x43: {  	_ =	shalt  }
0x44: {  	_ =	shalt  }
0x45: {  	_ =	shalt  }
0x46: {  	_ =	shalt  }
0x47: {  	_ =	shalt  }
0x48: {  	_ =	shalt  }
0x49: {  	_ =	shalt  }
0x4a: {  	_ =	shalt  }
0x4b: {  	_ =	shalt  }
0x4c: {  	_ =	shalt  }
0x4d: {  	_ =	shalt  }
0x4e: {  	_ =	shalt  }
0x4f: {  	_ =	shalt  }
0x50: {  	_ =	shalt  }
0x51: {  	_ =	shalt  }
0x52: {  	_ =	shalt  }
0x53: {  	_ =	shalt  }
0x54: {  	_ =	shalt  }
0x55: {  	_ =	shalt  }
0x56: {  	_ =	shalt  }
0x57: {  	_ =	shalt  }
0x58: {  	_ =	shalt  }
0x59: {  	_ =	shalt  }
0x5a: {  	_ =	shalt  }
0x5b: {  	_ =	shalt  }
0x5c: {  	_ =	shalt  }
0x5d: {  	_ =	shalt  }
0x5e: {  	_ =	shalt  }
0x5f: {  	_ =	shalt  }
0x60: {  	_ =	shalt  }
0x61: {  	_ =	shalt  }
0x62: {  	_ =	shalt  }
0x63: {  	_ =	shalt  }
0x64: {  	_ =	shalt  }
0x65: {  	_ =	shalt  }
0x66: {  	_ =	shalt  }
0x67: {  	_ =	shalt  }
0x68: {  	_ =	shalt  }
0x69: {  	_ =	shalt  }
0x6a: {  	_ =	shalt  }
0x6b: {  	_ =	shalt  }
0x6c: {  	_ =	shalt  }
0x6d: {  	_ =	shalt  }
0x6e: {  	_ =	shalt  }
0x6f: {  	_ =	shalt  }
0x70: {  	_ =	shalt  }
0x71: {  	_ =	shalt  }
0x72: {  	_ =	shalt  }
0x73: {  	_ =	shalt  }
0x74: {  	_ =	shalt  }
0x75: {  	_ =	shalt  }
0x76: {  	_ =	shalt  }
0x77: {  	_ =	shalt  }
0x78: {  	_ =	shalt  }
0x79: {  	_ =	shalt  }
0x7a: {  	_ =	shalt  }
0x7b: {  	_ =	shalt  }
0x7c: {  	_ =	shalt  }
0x7d: {  	_ =	shalt  }
0x7e: {  	_ =	shalt  }
0x7f: {  	_ =	shalt  }
0x80: {  	_ =	shalt  }
0x81: {  	_ =	shalt  }
0x82: {  	_ =	shalt  }
0x83: {  	_ =	shalt  }
0x84: {  	_ =	shalt  }
0x85: {  	_ =	shalt  }
0x86: {  	_ =	shalt  }
0x87: {  	_ =	shalt  }
.Lfunc_end0:
.L_simem_size_0:
called_computation_lowered:
.L_overlay_start_0:
0x88: {  	s2 =	sld [smem:$0x3FD9]  }
0x89: {  	s3 =	sld [smem:$0x3FFE];
	_ =	sdelay $0x1  }
0x8a: {  	s1 =	srdreg.scid  }
0x8b: {  	s0 =	sand.u32 $0x1, s1  }
0x8c: {  	s17 =	sshll.u32 s0, $0xA;
	s2 =	sadd.s32 s3, s2  }
0x8d: {  	s2 =	sadd.s32 s2, s17  }
0x8e: {  	[smem:$0x3FC3] =	sst s2  }
0x8f: {  	_ = 	snop  }
0x90: {  	s2 =	sld [smem:$0x3FC8];
	(tm) =	ssettm $0x1  }
0x91: {  	s18 =	sld [smem:$0x3FFB];
	_ =	sdelay $0x3  }
0x92: {  	_ =	strace s18  }
0x93: {  	s3 =	sld [smem:$0x3FFC];
	_ =	sdelay $0x3  }
0x94: {  	_ =	strace s3  }
0x95: {  	s3 =	sld [smem:$0x3FFD];
	_ =	sdelay $0x3  }
0x96: {  	_ =	strace s3  }
0x97: {  	_ =	strace $0x8FFFFFFF  }
0x98: {  	s19 =	sld [smem:$0x3FDB];
	_ =	sdelay $0x1  }
0x99: {  	s4 =	simm.s32 $_scs_section_size  }
0x9a: {  	s5 =	simm.s32 $_size__tile_overlayer_lowered;
	s6 =	simm.s32 $_tile_overlayer_lowered  }
0x9b: {  	s22 =	simm.s32 $0x1BFF;
	s21 =	sshll.u32 s6, $0x1;
	s3 =	sadd.s32 s4, s19  }
0x9c: {  	s7 =	simm.s32 $0x0;
	s20 =	sshll.u32 s5, $0x1;
	s5 =	sadd.s32 s21, s3  }
0x9d: {  	[timem:s7], [sflag:s22] =	dma.local [hbm:s5], s20  }
0x9e: {  	_ =	swait.ge [sflag:s22], s20  }
0x9f: {  	s4 =	ssub.s32 $0x0, s20;
	[sflag:s22] =	ssyncset.done $0x0  }
0xa0: {  	[sflag:s22] =	ssyncadd.s32 s4;
	_ =	sdelay $0x1  }
0xa1: {  	s23 =	simm.s32 $0x1B8B  }
0xa2: {  	_ =	swait.ge [sflag:s23], $0x1  }
0xa3: {  	[sflag:s23] =	ssyncset.done $0x0  }
0xa4: {  	s25 =	simm.s32 $0x1B8E;
	s24 =	sld [smem:$0x3FFE];
	[sflag:s23] =	ssyncadd.s32 $0xFFFFFFFF  }
0xa5: {  	s26 =	simm.s32 $execute0_lowered;
	[smem:$0x3FD2] =	sst s25  }
0xa6: {  	s5 =	sshll.u32 s26, $0x1;
	_ =	strace $0x80000046;
	[dreg:$0x1] =	wrdreg $0xFFFFFFFF  }
0xa7: {  	s28 =	simm.s32 $_size_execute0_lowered;
	s3 =	sadd.s32 s3, s5;
	[dreg:$0x0] =	wrdreg $0x0  }
0xa8: {  	s5 =	sshll.u32 s28, $0x1;
	[dreg:$0x2] =	wrdreg s3  }
0xa9: {  	[dreg:$0x3] =	wrdreg s5  }
0xaa: {  	[dreg:$0x4] =	wrdreg $0xC0  }
0xab: {  	_ =	task [dreg:s7], $0x5FFFF  }
0xac: {  	[dreg:$0x1] =	wrdreg $0xFFFFFFFF  }
0xad: {  	[dreg:$0x0] =	wrdreg $0x60  }
0xae: {  	[dreg:$0x2] =	wrdreg s24  }
0xaf: {  	[dreg:$0x3] =	wrdreg s2  }
0xb0: {  	[dreg:$0x4] =	wrdreg $0x9  }
0xb1: {  	_ =	task.clear_ibuf [dreg:s7], $0x5FFFF;
	_ =	strace $0x90000046  }
0xb2: {  	s29 =	simm.s32 $0x9;
	_ =	strace $0x80000048  }
0xb3: {  	_ =	swait.ge [sflag:s29], $0x1  }
0xb4: {  	[sflag:s29] =	ssyncadd.s32 $0xFFFFFFFF  }
0xb5: {  	_ =	strace $0x90000048  }
0xb6: {  	_ =	sfence  }
0xb7: {  	s30 =	sld [smem:$0x0];
	_ =	sdelay $0x2  }
0xb8: {  	s31 =	sshll.u32 s1, $0xD;
	s1 =	sshrl.u32 s1, $0x2  }
0xb9: {  	s3 =	sand.u32 $0x4000, s31;
	s1 =	sadd.s32 s1, s30  }
0xba: {  	s0 =	sor.u32 s3, s0;
	s1 =	sshll.u32 s1, $0x11  }
0xbb: {  	s0 =	sor.u32 s1, s0  }
0xbc: {  	s0 =	sadd.s32 $0x8F2B, s0  }
0xbd: {  	[sflag:s0] =	ssyncadd.remote.s32 $0x1  }
0xbe: {  	_ =	sfence.sel $0xFFFF  }
0xbf: {  	[dreg:$0x0] =	wrdreg $0xFFFFFFFF;
	(pc) =	sbr.abs _section_cstart, $3  }
0xc0: {  	[dreg:$0x1] =	wrdreg $0xFFFFFFFF  }
0xc1: {  	_ =	task.clear_ibuf [dreg:s7], $0x2FFFF;
	_ =	strace $0x9FFFFFFF  }
0xc2: {  	(tm) =	ssettm $0x7FFFFFFF  }
0xc3: {  	_ =	shalt  }
tec
execute0_lowered:
.L_overlay_start_1:
0x0: {  	(tag) =	ssettag $0x1  }
0x1: {  	s0 =	srdreg.scid  }
0x2: {  	s1 =	rddreg [dreg:$0x0];
	s2 =	stileid.u32  }
0x3: {  	s5 =	rddreg [dreg:$0x1];
	s11 =	simm.s32 $0x8;
	s12 =	simm.s32 $0x4000  }
0x4: {  	s14 =	simm.s32 $0x80;
	s16 =	simm.s32 $0x7;
	s17 =	simm.s32 $0x64  }
0x5: {  	s23 =	simm.s32 $0x15080;
	s28 =	simm.s32 $0x1B880;
	s29 =	simm.s32 $0x3  }
0x6: {  	s30 =	simm.s32 $0x5;
	s31 =	simm.s32 $0x4;
	s0 =	sand.u32 $0x1, s0  }
0x7: {  	s3 =	sshll.u32 s2, $0x8;
	s2 =	simm.s32 $0x0;
	s6 =	sadd.s32 $0x10E00, s1  }
0x8: {  	s24 =	sadd.s32 $0x600, s1;
	s7 =	sadd.s32 $0x197A00, s1;
	[smem:$0x7FF] =	sst s2  }
0x9: {  	s4 =	sshll.u32 s0, $0x7;
	_ =	strace $0x80000047;
	[dreg:$0x3] =	wrdreg s6  }
0xa: {  	s0 =	ssub.s32 $0x2, s0;
	s3 =	sor.u32 s4, s3;
	[dreg:$0x4] =	wrdreg s24  }
.Ltmp0:
0xb: {  	s25 =	sshrl.u32 s0, $0x1;
	s24 =	simm.s32 $0x1;
	(pc) =	sbr.rel .LBB2_1-.Ltmp0, $4  }
0xc: {  	s4 =	sshll.u32 s3, $0x4;
	s0 =	ssub.s32 s0, s25;
	s26 =	sshrl.u32 s3, $0x3  }
0xd: {  	s25 =	simm.s32 $0x18480;
	s8 =	sadd.s32 s4, s1;
	s4 =	sadd.s32 $0x11000, s1  }
0xe: {  	s9 =	sadd.s32 s5, s26;
	s10 =	smax.u32 s0, $0x1;
	s26 =	simm.s32 $0x2  }
0xf: {  	s1 =	simm.s32 $0x6;
	s0 =	simm.s32 $0x0;
	s8 =	sadd.s32 $0xE00, s8  }
.LBB2_12:
0x10: {  	s0 =	sadd.s32 $0x1, s0  }
0x11: {  	_ =	swait.ge [sflag:s30], $0x3200;
	p0 =	sne.s32 s0, s10  }
.Ltmp1:
0x12: {  	[sflag:s30] =	ssyncset.done $0x0;
	(pc) =	sbr.rel @!p0 .LBB2_13-.Ltmp1, $4  }
0x13: {  	[sflag:s30] =	ssyncadd.s32 $0xFFFFCE00  }
0x14: {  	_ =	swait.ge [sflag:s1], $0x3200  }
0x15: {  	[sflag:s1] =	ssyncset.done $0x0  }
0x16: {  	[sflag:s1] =	ssyncadd.s32 $0xFFFFCE00  }
.LBB2_1:
0x17: {  	[tilespmem:s2], [sflag:$0x8] =	stream.linear.gather [hbm4b:s8+s2], $0x4000, $0x38;
	[tilespmem:$0x1EC80] =	vst v63  }
0x18: {  	_ =	swait.ge [sflag:s11], $0x4000  }
0x19: {  	[sflag:s11] =	ssyncset.done $0x0  }
0x1a: {  	[sflag:s11] =	ssyncadd.s32 $0xFFFFC000  }
0x1b: {  	[tilespmem:s12], [sflag:$0x8] =	stream.linear.gather [hbm4b:s9+s2], $0x80, $0x38;
	[tilespmem:$0x1EC80] =	vst v63  }
0x1c: {  	_ =	swait.ge [sflag:s11], $0x80  }
0x1d: {  	[sflag:s11] =	ssyncset.done $0x0  }
0x1e: {  	s6 =	simm.s32 $0x8080;
	s5 =	rddreg [dreg:$0x4];
	[sflag:s11] =	ssyncadd.s32 $0xFFFFFF80  }
0x1f: {  	[tilespmem:s6], [sflag:$0x8] =	stream.linear.gather [hbm4b:s5+s2], $0x3200, $0x38;
	[tilespmem:$0x1EC80] =	vst v63  }
0x20: {  	_ =	swait.ge [sflag:s11], $0x3200  }
0x21: {  	[sflag:s11] =	ssyncset.done $0x0  }
0x22: {  	s15 =	simm.s32 $0x4080;
	s13 =	rddreg [dreg:$0x3];
	[sflag:s11] =	ssyncadd.s32 $0xFFFFCE00  }
0x23: {  	[tilespmem:s15], [sflag:$0x7] =	stream.indirect.gather [hbm4b:s13+s14], $0x80, s12, s14, $0xb8;
	[tilespmem:$0x1EC80] =	vst v63  }
0x24: {  	_ =	swait.ge [sflag:s16], $0x4000  }
0x25: {  	[sflag:s16] =	ssyncset.done $0x0  }
0x26: {  	s18 =	simm.s32 $0xB480;
	[sflag:s16] =	ssyncadd.s32 $0xFFFFC000  }
0x27: {  	[tilespmem:s18], [sflag:$0x1] =	stream.indirect.gather [hbm4b:s4+s17], $0x80, s2, s17, $0xb8;
	[tilespmem:$0x1EC80] =	vst v63  }
0x28: {  	s19 =	simm.s32 $0xE880  }
0x29: {  	[tilespmem:s19], [sflag:$0x2] =	stream.indirect.gather [hbm4b:s4+s17], $0x80, s14, s17, $0xb8;
	[tilespmem:$0x1EC80] =	vst v63  }
0x2a: {  	s20 =	simm.s32 $0x100;
	s21 =	simm.s32 $0x11C80  }
0x2b: {  	[tilespmem:s21], [sflag:$0x3] =	stream.indirect.gather [hbm4b:s4+s17], $0x80, s20, s17, $0xb8;
	[tilespmem:$0x1EC80] =	vst v63  }
0x2c: {  	s22 =	simm.s32 $0x180;
	s13 =	simm.s32 $0x0  }
0x2d: {  	[tilespmem:s23], [sflag:$0x4] =	stream.indirect.gather [hbm4b:s4+s17], $0x80, s22, s17, $0xb8;
	[tilespmem:$0x1EC80] =	vst v63  }
.LBB2_2:
0x2e: {  	_ =	swait.ge [sflag:s24], $0x3200  }
0x2f: {  	p1 =	seq.s32 s13, $0x0;
	[sflag:s24] =	ssyncset.done $0x0  }
0x30: {  	s5 =	simm.s32 @!p1 $0x5;
	[sflag:s24] =	ssyncadd.s32 $0xFFFFCE00  }
0x31: {  	_ =	swait.ge @!p1 [sflag:s5], $0x3200  }
0x32: {  	s19 =	sshll.u32 s13, $0xB;
	[sflag:s5] =	ssyncset.done @!p1 $0x0  }
0x33: {  	s15 =	sshrl.u32 s19, $0x2;
	[sflag:s5] =	ssyncadd.s32 @!p1 $0xFFFFCE00  }
0x34: {  	v2 =	vld [tilespmem:s15+$0x4080]  }
0x35: {  	v1 =	vld [tilespmem:s15+$0x4090]  }
0x36: {  	v0 =	vld [tilespmem:s15+$0x40A0]  }
0x37: {  	s21 =	simm.s32 $0x0;
	v3 =	vld [tilespmem:s15+$0x40B0]  }
0x38: {  	v6 =	vld [tilespmem:s21+$0xB4B0]  }
0x39: {  	v7 =	vld [tilespmem:s21+$0x80B0]  }
0x3a: {  	v9 =	vld [tilespmem:s21+$0xB480]  }
0x3b: {  	v10 =	vld [tilespmem:s21+$0x8080]  }
0x3c: {  	v5 =	vld [tilespmem:s21+$0xB490]  }
0x3d: {  	v8 =	vld [tilespmem:s21+$0x8090]  }
0x3e: {  	v4 =	vld [tilespmem:s21+$0xB4A0];
	v11 =	vadd.f32 v7, v6  }
0x3f: {  	s20 =	simm.s32 $0x80;
	v7 =	vld [tilespmem:s21+$0x80A0]  }
0x40: {  	s18 =	sshll.u32 s13, $0x2;
	s22 =	simm.s32 $0x400;
	v6 =	vld [tilespmem:s20+$0xB4B0];
	v9 =	vadd.f32 v10, v9;
	v10 =	vadd.f32 v11, v3  }
.LBB2_3:
0x41: {  	p0 =	sne.s32 s22, $0xC600;
	v11 =	vld [tilespmem:s20+$0x80B0]  }
0x42: {  	v12 =	vld [tilespmem:s20+$0xB480];
	v9 =	vadd.f32 v9, v2;
	v8 =	vadd.f32 v8, v5;
	[tilespmem:s21+$0x184B0] =	vst v10  }
0x43: {  	v10 =	vld [tilespmem:s20+$0x8080]  }
.Ltmp2:
0x44: {  	v5 =	vld [tilespmem:s20+$0xB490];
	[tilespmem:s21+$0x18480] =	vst v9;
	v9 =	vadd.f32 v8, v1;
	v7 =	vadd.f32 v7, v4;
	(pc) =	sbr.rel @p0 .LBB2_3-.Ltmp2, $4  }
0x45: {  	v8 =	vld [tilespmem:s20+$0x8090]  }
0x46: {  	v4 =	vld [tilespmem:s20+$0xB4A0];
	v11 =	vadd.f32 v11, v6;
	[tilespmem:s21+$0x18490] =	vst v9;
	v13 =	vadd.f32 v7, v0  }
0x47: {  	s5 =	sshra.s32 s22, $0x2;
	v7 =	vld [tilespmem:s20+$0x80A0]  }
0x48: {  	s22 =	sadd.s32 $0x200, s22;
	v6 =	vld [tilespmem:s5+$0xB4B0];
	v9 =	vadd.f32 v10, v12;
	v10 =	vadd.f32 v11, v3;
	[tilespmem:s21+$0x184A0] =	vst v13;
	s21 =	smov.u32 s20;
	s20 =	smov.u32 s5  }
0x49: {  	v11 =	vld [tilespmem:s20+$0x80B0]  }
0x4a: {  	v12 =	vld [tilespmem:s20+$0xB480];
	[tilespmem:s21+$0x184B0] =	vst v10;
	v9 =	vadd.f32 v9, v2;
	v5 =	vadd.f32 v8, v5  }
0x4b: {  	v10 =	vld [tilespmem:s20+$0x8080]  }
0x4c: {  	v8 =	vld [tilespmem:s20+$0xB490];
	[tilespmem:s21+$0x18480] =	vst v9;
	v5 =	vadd.f32 v5, v1  }
0x4d: {  	v9 =	vld [tilespmem:s20+$0x8090]  }
0x4e: {  	v13 =	vld [tilespmem:s20+$0xB4A0];
	[tilespmem:s21+$0x18490] =	vst v5  }
0x4f: {  	v5 =	vld [tilespmem:s20+$0x80A0]  }
0x50: {  	v4 =	vadd.f32 v7, v4  }
0x51: {  	v6 =	vadd.f32 v11, v6  }
0x52: {  	v4 =	vadd.f32 v4, v0;
	v7 =	vadd.f32 v10, v12  }
0x53: {  	v3 =	vadd.f32 v6, v3;
	v6 =	vadd.f32 v9, v8  }
0x54: {  	[tilespmem:s21+$0x184A0] =	vst v4;
	v2 =	vadd.f32 v7, v2;
	v4 =	vadd.f32 v5, v13  }
0x55: {  	s5 =	sadd.s32 s3, s18;
	[tilespmem:s20+$0x184B0] =	vst v3;
	v1 =	vadd.f32 v6, v1  }
0x56: {  	s5 =	smul.u32 $0x680, s5;
	[tilespmem:s20+$0x18480] =	vst v2;
	v0 =	vadd.f32 v4, v0  }
0x57: {  	p0 =	seq.s32 s13, $0x1F;
	[tilespmem:s20+$0x18490] =	vst v1  }
0x58: {  	s19 =	sshrl.u32 @!p0 s19, $0x2;
	s5 =	sadd.s32 s7, s5;
	[tilespmem:s20+$0x184A0] =	vst v0  }
0x59: {  	[hbm4b:s5+s2] =	stream.linear.scatter [tilespmem:s25], [sflag:$0x5], $0x3200, $0x38;
	[tilespmem:$0x1EC80] =	vst v63  }
0x5a: {  	s21 =	simm.s32 @!p0 $0xB480;
	s20 =	simm.s32 @!p0 $0x64;
	s5 =	sadd.s32 @!p0 $0x200, s19  }
0x5b: {  	[tilespmem:s21], [sflag:$0x1] =	stream.indirect.gather @!p0 [hbm4b:s4+s20], $0x80, s5, s20, $0xb8;
	[tilespmem:$0x1EC80] =	vst v63  }
0x5c: {  	_ =	swait.ge [sflag:s26], $0x3200  }
0x5d: {  	[sflag:s26] =	ssyncset.done $0x0  }
0x5e: {  	s5 =	simm.s32 @!p1 $0x6;
	[sflag:s26] =	ssyncadd.s32 $0xFFFFCE00  }
0x5f: {  	s20 =	sor.u32 $0x1, s18;
	_ =	swait.ge @!p1 [sflag:s5], $0x3200  }
0x60: {  	s6 =	sshll.u32 s20, $0x7;
	[sflag:s5] =	ssyncset.done @!p1 $0x0  }
0x61: {  	s22 =	sand.u32 $0x3FFFFF80, s6;
	[sflag:s5] =	ssyncadd.s32 @!p1 $0xFFFFCE00  }
0x62: {  	v2 =	vld [tilespmem:s22+$0x4080]  }
0x63: {  	v1 =	vld [tilespmem:s22+$0x4090]  }
0x64: {  	v0 =	vld [tilespmem:s22+$0x40A0]  }
0x65: {  	v3 =	vld [tilespmem:s22+$0x40B0];
	s22 =	simm.s32 $0x0  }
0x66: {  	v5 =	vld [tilespmem:s22+$0xE8B0]  }
0x67: {  	v7 =	vld [tilespmem:s22+$0x80B0]  }
0x68: {  	v9 =	vld [tilespmem:s22+$0xE880]  }
0x69: {  	v10 =	vld [tilespmem:s22+$0x8080]  }
0x6a: {  	v6 =	vld [tilespmem:s22+$0xE890]  }
0x6b: {  	v8 =	vld [tilespmem:s22+$0x8090]  }
0x6c: {  	v4 =	vld [tilespmem:s22+$0xE8A0];
	v11 =	vadd.f32 v7, v5  }
0x6d: {  	s21 =	simm.s32 $0x80;
	v7 =	vld [tilespmem:s22+$0x80A0]  }
0x6e: {  	s5 =	simm.s32 $0x400;
	v5 =	vld [tilespmem:s21+$0xE8B0];
	v9 =	vadd.f32 v10, v9;
	v10 =	vadd.f32 v11, v3  }
.LBB2_5:
0x6f: {  	p1 =	sne.s32 s5, $0xC600;
	v11 =	vld [tilespmem:s21+$0x80B0]  }
0x70: {  	v12 =	vld [tilespmem:s21+$0xE880];
	v9 =	vadd.f32 v9, v2;
	v8 =	vadd.f32 v8, v6;
	[tilespmem:s22+$0x1B8B0] =	vst v10  }
0x71: {  	v10 =	vld [tilespmem:s21+$0x8080]  }
.Ltmp3:
0x72: {  	v6 =	vld [tilespmem:s21+$0xE890];
	[tilespmem:s22+$0x1B880] =	vst v9;
	v9 =	vadd.f32 v8, v1;
	v7 =	vadd.f32 v7, v4;
	(pc) =	sbr.rel @p1 .LBB2_5-.Ltmp3, $4  }
0x73: {  	v8 =	vld [tilespmem:s21+$0x8090]  }
0x74: {  	v4 =	vld [tilespmem:s21+$0xE8A0];
	v11 =	vadd.f32 v11, v5;
	[tilespmem:s22+$0x1B890] =	vst v9;
	v13 =	vadd.f32 v7, v0  }
0x75: {  	s6 =	sshra.s32 s5, $0x2;
	v7 =	vld [tilespmem:s21+$0x80A0]  }
0x76: {  	s5 =	sadd.s32 $0x200, s5;
	v5 =	vld [tilespmem:s6+$0xE8B0];
	v9 =	vadd.f32 v10, v12;
	v10 =	vadd.f32 v11, v3;
	[tilespmem:s22+$0x1B8A0] =	vst v13;
	s22 =	smov.u32 s21;
	s21 =	smov.u32 s6  }
0x77: {  	v11 =	vld [tilespmem:s21+$0x80B0]  }
0x78: {  	v12 =	vld [tilespmem:s21+$0xE880];
	[tilespmem:s22+$0x1B8B0] =	vst v10;
	v9 =	vadd.f32 v9, v2;
	v6 =	vadd.f32 v8, v6  }
0x79: {  	v10 =	vld [tilespmem:s21+$0x8080]  }
0x7a: {  	v8 =	vld [tilespmem:s21+$0xE890];
	[tilespmem:s22+$0x1B880] =	vst v9;
	v6 =	vadd.f32 v6, v1  }
0x7b: {  	v9 =	vld [tilespmem:s21+$0x8090]  }
0x7c: {  	v13 =	vld [tilespmem:s21+$0xE8A0];
	[tilespmem:s22+$0x1B890] =	vst v6  }
0x7d: {  	v6 =	vld [tilespmem:s21+$0x80A0]  }
0x7e: {  	v4 =	vadd.f32 v7, v4  }
0x7f: {  	v5 =	vadd.f32 v11, v5  }
0x80: {  	v4 =	vadd.f32 v4, v0;
	v7 =	vadd.f32 v10, v12  }
0x81: {  	v3 =	vadd.f32 v5, v3;
	v5 =	vadd.f32 v9, v8  }
0x82: {  	[tilespmem:s22+$0x1B8A0] =	vst v4;
	v2 =	vadd.f32 v7, v2;
	v4 =	vadd.f32 v6, v13  }
0x83: {  	s5 =	sadd.s32 s3, s20;
	[tilespmem:s21+$0x1B8B0] =	vst v3;
	v1 =	vadd.f32 v5, v1  }
0x84: {  	s5 =	smul.u32 $0x680, s5;
	[tilespmem:s21+$0x1B880] =	vst v2;
	v0 =	vadd.f32 v4, v0  }
0x85: {  	[tilespmem:s21+$0x1B890] =	vst v1  }
0x86: {  	s5 =	sadd.s32 s7, s5;
	[tilespmem:s21+$0x1B8A0] =	vst v0  }
0x87: {  	[hbm4b:s5+s2] =	stream.linear.scatter [tilespmem:s28], [sflag:$0x6], $0x3200, $0x38;
	[tilespmem:$0x1EC80] =	vst v63  }
0x88: {  	s6 =	simm.s32 @!p0 $0x64;
	s20 =	simm.s32 @!p0 $0xE880;
	s5 =	sadd.s32 @!p0 $0x280, s19  }
0x89: {  	[tilespmem:s20], [sflag:$0x2] =	stream.indirect.gather @!p0 [hbm4b:s4+s6], $0x80, s5, s6, $0xb8;
	[tilespmem:$0x1EC80] =	vst v63  }
0x8a: {  	_ =	swait.ge [sflag:s29], $0x3200  }
0x8b: {  	[sflag:s29] =	ssyncset.done $0x0  }
0x8c: {  	[sflag:s29] =	ssyncadd.s32 $0xFFFFCE00  }
0x8d: {  	s20 =	sor.u32 $0x2, s18;
	_ =	swait.ge [sflag:s30], $0x3200  }
0x8e: {  	s22 =	sshll.u32 s20, $0x7;
	[sflag:s30] =	ssyncset.done $0x0  }
0x8f: {  	s5 =	sand.u32 $0x3FFFFF80, s22;
	[sflag:s30] =	ssyncadd.s32 $0xFFFFCE00  }
0x90: {  	v2 =	vld [tilespmem:s5+$0x4080]  }
0x91: {  	v1 =	vld [tilespmem:s5+$0x4090]  }
0x92: {  	v0 =	vld [tilespmem:s5+$0x40A0]  }
0x93: {  	s22 =	simm.s32 $0x0;
	v3 =	vld [tilespmem:s5+$0x40B0]  }
0x94: {  	v5 =	vld [tilespmem:s22+$0x11CB0]  }
0x95: {  	v7 =	vld [tilespmem:s22+$0x80B0]  }
0x96: {  	v9 =	vld [tilespmem:s22+$0x11C80]  }
0x97: {  	v10 =	vld [tilespmem:s22+$0x8080]  }
0x98: {  	v6 =	vld [tilespmem:s22+$0x11C90]  }
0x99: {  	v8 =	vld [tilespmem:s22+$0x8090]  }
0x9a: {  	v4 =	vld [tilespmem:s22+$0x11CA0];
	v11 =	vadd.f32 v7, v5  }
0x9b: {  	s21 =	simm.s32 $0x80;
	v7 =	vld [tilespmem:s22+$0x80A0]  }
0x9c: {  	s5 =	simm.s32 $0x400;
	v5 =	vld [tilespmem:s21+$0x11CB0];
	v9 =	vadd.f32 v10, v9;
	v10 =	vadd.f32 v11, v3  }
.LBB2_7:
0x9d: {  	p1 =	sne.s32 s5, $0xC600;
	v11 =	vld [tilespmem:s21+$0x80B0]  }
0x9e: {  	v12 =	vld [tilespmem:s21+$0x11C80];
	v9 =	vadd.f32 v9, v2;
	v8 =	vadd.f32 v8, v6;
	[tilespmem:s22+$0x184B0] =	vst v10  }
0x9f: {  	v10 =	vld [tilespmem:s21+$0x8080]  }
.Ltmp4:
0xa0: {  	v6 =	vld [tilespmem:s21+$0x11C90];
	[tilespmem:s22+$0x18480] =	vst v9;
	v9 =	vadd.f32 v8, v1;
	v7 =	vadd.f32 v7, v4;
	(pc) =	sbr.rel @p1 .LBB2_7-.Ltmp4, $4  }
0xa1: {  	v8 =	vld [tilespmem:s21+$0x8090]  }
0xa2: {  	v4 =	vld [tilespmem:s21+$0x11CA0];
	v11 =	vadd.f32 v11, v5;
	[tilespmem:s22+$0x18490] =	vst v9;
	v13 =	vadd.f32 v7, v0  }
0xa3: {  	s6 =	sshra.s32 s5, $0x2;
	v7 =	vld [tilespmem:s21+$0x80A0]  }
0xa4: {  	s5 =	sadd.s32 $0x200, s5;
	v5 =	vld [tilespmem:s6+$0x11CB0];
	v9 =	vadd.f32 v10, v12;
	v10 =	vadd.f32 v11, v3;
	[tilespmem:s22+$0x184A0] =	vst v13;
	s22 =	smov.u32 s21;
	s21 =	smov.u32 s6  }
0xa5: {  	v11 =	vld [tilespmem:s21+$0x80B0]  }
0xa6: {  	v12 =	vld [tilespmem:s21+$0x11C80];
	[tilespmem:s22+$0x184B0] =	vst v10;
	v9 =	vadd.f32 v9, v2;
	v6 =	vadd.f32 v8, v6  }
0xa7: {  	v10 =	vld [tilespmem:s21+$0x8080]  }
0xa8: {  	v8 =	vld [tilespmem:s21+$0x11C90];
	[tilespmem:s22+$0x18480] =	vst v9;
	v6 =	vadd.f32 v6, v1  }
0xa9: {  	v9 =	vld [tilespmem:s21+$0x8090]  }
0xaa: {  	v13 =	vld [tilespmem:s21+$0x11CA0];
	[tilespmem:s22+$0x18490] =	vst v6  }
0xab: {  	v6 =	vld [tilespmem:s21+$0x80A0]  }
0xac: {  	v4 =	vadd.f32 v7, v4  }
0xad: {  	v5 =	vadd.f32 v11, v5  }
0xae: {  	v4 =	vadd.f32 v4, v0;
	v7 =	vadd.f32 v10, v12  }
0xaf: {  	v3 =	vadd.f32 v5, v3;
	v5 =	vadd.f32 v9, v8  }
0xb0: {  	[tilespmem:s22+$0x184A0] =	vst v4;
	v2 =	vadd.f32 v7, v2;
	v4 =	vadd.f32 v6, v13  }
0xb1: {  	s5 =	sadd.s32 s3, s20;
	[tilespmem:s21+$0x184B0] =	vst v3;
	v1 =	vadd.f32 v5, v1  }
0xb2: {  	s5 =	smul.u32 $0x680, s5;
	[tilespmem:s21+$0x18480] =	vst v2;
	v0 =	vadd.f32 v4, v0  }
0xb3: {  	[tilespmem:s21+$0x18490] =	vst v1  }
0xb4: {  	s5 =	sadd.s32 s7, s5;
	[tilespmem:s21+$0x184A0] =	vst v0  }
0xb5: {  	[hbm4b:s5+s2] =	stream.linear.scatter [tilespmem:s25], [sflag:$0x5], $0x3200, $0x38;
	[tilespmem:$0x1EC80] =	vst v63  }
0xb6: {  	s6 =	simm.s32 @!p0 $0x64;
	s5 =	sadd.s32 @!p0 $0x300, s19;
	s19 =	simm.s32 @!p0 $0x11C80  }
0xb7: {  	[tilespmem:s19], [sflag:$0x3] =	stream.indirect.gather @!p0 [hbm4b:s4+s6], $0x80, s5, s6, $0xb8;
	[tilespmem:$0x1EC80] =	vst v63  }
0xb8: {  	_ =	swait.ge [sflag:s31], $0x3200  }
0xb9: {  	[sflag:s31] =	ssyncset.done $0x0  }
0xba: {  	[sflag:s31] =	ssyncadd.s32 $0xFFFFCE00  }
0xbb: {  	s18 =	sor.u32 $0x3, s18;
	_ =	swait.ge [sflag:s1], $0x3200  }
0xbc: {  	s22 =	sshll.u32 s18, $0x7;
	[sflag:s1] =	ssyncset.done $0x0  }
0xbd: {  	s5 =	sand.u32 $0x3FFFFF80, s22;
	[sflag:s1] =	ssyncadd.s32 $0xFFFFCE00  }
0xbe: {  	v2 =	vld [tilespmem:s5+$0x4080]  }
0xbf: {  	v1 =	vld [tilespmem:s5+$0x4090]  }
0xc0: {  	v0 =	vld [tilespmem:s5+$0x40A0]  }
0xc1: {  	s20 =	simm.s32 $0x0;
	v3 =	vld [tilespmem:s5+$0x40B0]  }
0xc2: {  	v5 =	vld [tilespmem:s20+$0x150B0]  }
0xc3: {  	v7 =	vld [tilespmem:s20+$0x80B0]  }
0xc4: {  	v9 =	vld [tilespmem:s20+$0x15080]  }
0xc5: {  	v10 =	vld [tilespmem:s20+$0x8080]  }
0xc6: {  	v6 =	vld [tilespmem:s20+$0x15090]  }
0xc7: {  	v8 =	vld [tilespmem:s20+$0x8090]  }
0xc8: {  	v4 =	vld [tilespmem:s20+$0x150A0];
	v11 =	vadd.f32 v7, v5  }
0xc9: {  	s19 =	simm.s32 $0x80;
	v7 =	vld [tilespmem:s20+$0x80A0]  }
0xca: {  	s5 =	simm.s32 $0x400;
	v5 =	vld [tilespmem:s19+$0x150B0];
	v9 =	vadd.f32 v10, v9;
	v10 =	vadd.f32 v11, v3  }
.LBB2_9:
0xcb: {  	p1 =	sne.s32 s5, $0xC600;
	v11 =	vld [tilespmem:s19+$0x80B0]  }
0xcc: {  	v12 =	vld [tilespmem:s19+$0x15080];
	v9 =	vadd.f32 v9, v2;
	v8 =	vadd.f32 v8, v6;
	[tilespmem:s20+$0x1B8B0] =	vst v10  }
0xcd: {  	v10 =	vld [tilespmem:s19+$0x8080]  }
.Ltmp5:
0xce: {  	v6 =	vld [tilespmem:s19+$0x15090];
	[tilespmem:s20+$0x1B880] =	vst v9;
	v9 =	vadd.f32 v8, v1;
	v7 =	vadd.f32 v7, v4;
	(pc) =	sbr.rel @p1 .LBB2_9-.Ltmp5, $4  }
0xcf: {  	v8 =	vld [tilespmem:s19+$0x8090]  }
0xd0: {  	v4 =	vld [tilespmem:s19+$0x150A0];
	v11 =	vadd.f32 v11, v5;
	[tilespmem:s20+$0x1B890] =	vst v9;
	v13 =	vadd.f32 v7, v0  }
0xd1: {  	s6 =	sshra.s32 s5, $0x2;
	v7 =	vld [tilespmem:s19+$0x80A0]  }
0xd2: {  	s5 =	sadd.s32 $0x200, s5;
	v5 =	vld [tilespmem:s6+$0x150B0];
	v9 =	vadd.f32 v10, v12;
	v10 =	vadd.f32 v11, v3;
	[tilespmem:s20+$0x1B8A0] =	vst v13;
	s20 =	smov.u32 s19;
	s19 =	smov.u32 s6  }
0xd3: {  	v11 =	vld [tilespmem:s19+$0x80B0]  }
0xd4: {  	v12 =	vld [tilespmem:s19+$0x15080];
	[tilespmem:s20+$0x1B8B0] =	vst v10;
	v9 =	vadd.f32 v9, v2;
	v6 =	vadd.f32 v8, v6  }
0xd5: {  	v10 =	vld [tilespmem:s19+$0x8080]  }
0xd6: {  	v57 =	vld [tilespmem:s19+$0x15090];
	[tilespmem:s20+$0x1B880] =	vst v9;
	v6 =	vadd.f32 v6, v1  }
0xd7: {  	v9 =	vld [tilespmem:s19+$0x8090]  }
0xd8: {  	v13 =	vld [tilespmem:s19+$0x150A0];
	[tilespmem:s20+$0x1B890] =	vst v6  }
0xd9: {  	v6 =	vld [tilespmem:s19+$0x80A0]  }
0xda: {  	v4 =	vadd.f32 v7, v4  }
0xdb: {  	v5 =	vadd.f32 v11, v5  }
0xdc: {  	v4 =	vadd.f32 v4, v0;
	v58 =	vadd.f32 v10, v12  }
0xdd: {  	v3 =	vadd.f32 v5, v3;
	v59 =	vadd.f32 v9, v57  }
0xde: {  	[tilespmem:s20+$0x1B8A0] =	vst v4;
	v60 =	vadd.f32 v58, v2;
	v61 =	vadd.f32 v6, v13  }
.Ltmp6:
0xdf: {  	s5 =	sadd.s32 s3, s18;
	[tilespmem:s19+$0x1B8B0] =	vst v3;
	v62 =	vadd.f32 v59, v1;
	(pc) =	sbr.rel @p0 .LBB2_12-.Ltmp6, $4  }
0xe0: {  	s5 =	smul.u32 $0x680, s5;
	[tilespmem:s19+$0x1B880] =	vst v60;
	v63 =	vadd.f32 v61, v0  }
0xe1: {  	[tilespmem:s19+$0x1B890] =	vst v62  }
0xe2: {  	s5 =	sadd.s32 s7, s5;
	[tilespmem:s19+$0x1B8A0] =	vst v63  }
0xe3: {  	[hbm4b:s5+s2] =	stream.linear.scatter [tilespmem:s28], [sflag:$0x6], $0x3200, $0x38;
	[tilespmem:$0x1EC80] =	vst v63  }
.Ltmp7:
0xe4: {  	(pc) =	sbr.rel .LBB2_2-.Ltmp7, $3  }
0xe5: {  	_ =	sdelay $0x1  }
0xe6: {  	s5 =	sadd.s32 $0x380, s15;
	s13 =	sadd.s32 $0x1, s13  }
0xe7: {  	[tilespmem:s23], [sflag:$0x4] =	stream.indirect.gather [hbm4b:s4+s17], $0x80, s5, s17, $0xb8;
	[tilespmem:$0x1EC80] =	vst v63  }
.LBB2_13:
0xe8: {  	_ =	sfence.sel $0x180000  }
0xe9: {  	[bflag:$0x0] =	sbarrier.arrive $0xFFFF  }
0xea: {  	_ =	strace $0x90000047  }
0xeb: {  	s0 =	stileid.u32;
	[bflag:$0x2] =	sbarrier.arrive $0xFFFF  }
0xec: {  	p0 =	sne.s32 s0, $0x0;
	s0 =	rddreg [dreg:$0x2]  }
0xed: {  	s0 =	sadd.s32 @!p0 $0x100000, s0  }
0xee: {  	[sflag:s0] =	ssyncadd.tile.s32 @!p0 $0x1;
	_ =	shalt  }
.Lfunc_end2:
_tile_overlayer_lowered:
.L_overlay_start_2:
0xef: {  	(tag) =	ssettag $0x2  }
0xf0: {  	s0 =	rddreg [dreg:$0x0];
	s2 =	stileid.u32  }
0xf1: {  	s1 =	rddreg [dreg:$0x1];
	p0 =	sne.s32 s2, $0x0  }
0xf2: {  	s3 =	rddreg [dreg:$0x2];
	[bflag:$0x3] =	sbarrier.arrive $0xFFFF;
	s2 =	simm.s32 @!p0 $0x1C08  }
0xf3: {  	[timem:s3], [sflag:s2] =	dma.local @!p0 [hbm:s0], s1  }
0xf4: {  	s0 =	simm.s32 @!p0 $0x8  }
0xf5: {  	_ =	swait.ge @!p0 [sflag:s0], s1  }
0xf6: {  	s1 =	ssub.s32 @!p0 $0x0, s1;
	[sflag:s0] =	ssyncset.done @!p0 $0x0  }
0xf7: {  	[sflag:s0] =	ssyncadd.s32 @!p0 s1  }
0xf8: {  	[bflag:$0x3] =	sbarrier.arrive $0xFFFF  }
0xf9: {  	_ =	shalt  }

</sc_bundles>
